<compile_context>
chip_gen: v7x
topology: tpu7x:2x2x1
jax: 0.10.2.dev20260603
libtpu: 0.0.44.dev20260713+nightly
codegen_flags: <defaults>
</compile_context>

<pallas_src>
import functools

import jax
import jax.numpy as jnp
from jax import lax
from jax.experimental import pallas as pl
from jax.experimental.pallas import tpu as pltpu
from jax.experimental.pallas import tpu_sc as plsc

D = 256
W = D // 2
E = 160000
NW = 32
NE = 5120
EP = NW * NE
CH = 32
NCHUNK = NE // CH
NG = CH // 16


def _body(h_hbm, u_hbm, v_hbm, out_hbm,
          u_idx, v_idx, h_sh, ur0, vr0, ur1, vr1, ur2, vr2, ur3, vr3, sc,
          su0, sv0, su1, sv1, su2, sv2, su3, sv3):
    sid = lax.axis_index("s")
    wid = sid * 2 + lax.axis_index("c")
    base = wid * NE
    pltpu.sync_copy(h_hbm.at[pl.ds(sid * 625, 625)],
                    h_sh.at[pl.ds(sid * 625, 625)])
    plsc.subcore_barrier()
    pltpu.sync_copy(u_hbm.at[pl.ds(base, NE)], u_idx)
    pltpu.sync_copy(v_hbm.at[pl.ds(base, NE)], v_idx)

    ubufs, vbufs = (ur0, ur1, ur2, ur3), (vr0, vr1, vr2, vr3)
    usems, vsems = (su0, su1, su2, su3), (sv0, sv1, sv2, sv3)
    lane = lax.iota(jnp.int32, 16)
    rows = [lane + g * 16 for g in range(NG)]

    def issue(ci, b):
        pltpu.async_copy(
            h_sh.at[u_idx.at[pl.ds(ci * CH, CH)]], ubufs[b], usems[b])
        pltpu.async_copy(
            h_sh.at[v_idx.at[pl.ds(ci * CH, CH)]], vbufs[b], vsems[b])

    def wait(b):
        pltpu.make_async_copy(
            h_sh.at[u_idx.at[pl.ds(0, CH)]], ubufs[b], usems[b]).wait()
        pltpu.make_async_copy(
            h_sh.at[v_idx.at[pl.ds(0, CH)]], vbufs[b], vsems[b]).wait()

    def compute(ci, b):
        ub, vb = ubufs[b], vbufs[b]

        def acc_body(w, acc):
            wvec = jnp.bitwise_and(w + lane, W - 1)
            new = []
            for g in range(NG):
                au = plsc.load_gather(ub, [rows[g], wvec])
                av = plsc.load_gather(vb, [rows[g], wvec])
                ul, uh = plsc.unpack(
                    plsc.bitcast(au, jnp.bfloat16),
                    format=plsc.PackFormat.INTERLEAVED)
                vl, vh = plsc.unpack(
                    plsc.bitcast(av, jnp.bfloat16),
                    format=plsc.PackFormat.INTERLEAVED)
                a0, a1 = acc[g]
                new.append((a0 + ul * vl, a1 + uh * vh))
            return tuple(new)

        accs = plsc.parallel_loop(
            0, W, unroll=4,
            carry=tuple(
                (jnp.zeros((16,), jnp.float32), jnp.zeros((16,), jnp.float32))
                for _ in range(NG)),
        )(acc_body)
        for g in range(NG):
            sc[pl.ds(ci * CH + g * 16, 16)] = accs[g][0] + accs[g][1]

    issue(0, 0)
    issue(1, 1)
    issue(2, 2)

    def quad_body(k, carry):
        for j in range(4):
            ci = 4 * k + j
            nxt = ci + 3

            @pl.when(nxt < NCHUNK)
            def _():
                issue(nxt, (j + 3) % 4)

            wait(j)
            compute(ci, j)
        return carry

    lax.fori_loop(0, NCHUNK // 4, quad_body, 0)
    pltpu.sync_copy(sc, out_hbm.at[pl.ds(base, NE)])


_sc_call = functools.partial(
    pl.kernel,
    out_type=jax.ShapeDtypeStruct((EP,), jnp.float32),
    mesh=plsc.VectorSubcoreMesh(core_axis_name="c", subcore_axis_name="s"),
    compiler_params=pltpu.CompilerParams(
        use_tc_tiling_on_sc=False, needs_layout_passes=False),
    scratch_types=[
        pltpu.VMEM((NE,), jnp.int32),
        pltpu.VMEM((NE,), jnp.int32),
        pltpu.VMEM_SHARED((10000, W), jnp.float32),
        pltpu.VMEM((CH, W), jnp.float32),
        pltpu.VMEM((CH, W), jnp.float32),
        pltpu.VMEM((CH, W), jnp.float32),
        pltpu.VMEM((CH, W), jnp.float32),
        pltpu.VMEM((CH, W), jnp.float32),
        pltpu.VMEM((CH, W), jnp.float32),
        pltpu.VMEM((CH, W), jnp.float32),
        pltpu.VMEM((CH, W), jnp.float32),
        pltpu.VMEM((NE,), jnp.float32),
        pltpu.SemaphoreType.DMA,
        pltpu.SemaphoreType.DMA,
        pltpu.SemaphoreType.DMA,
        pltpu.SemaphoreType.DMA,
        pltpu.SemaphoreType.DMA,
        pltpu.SemaphoreType.DMA,
        pltpu.SemaphoreType.DMA,
        pltpu.SemaphoreType.DMA,
    ],
)(_body)


def kernel(h, edges):
    hp = lax.bitcast_convert_type(
        h.astype(jnp.bfloat16).reshape(10000, W, 2), jnp.float32)
    u = edges[0].astype(jnp.int32)
    v = edges[1].astype(jnp.int32)
    pad = jnp.zeros((EP - E,), jnp.int32)
    up = jnp.concatenate([u, pad])
    vp = jnp.concatenate([v, pad])
    scores = _sc_call(hp, up, vp)
    return scores[:E]

# --- scband reference (transcript-rebuilt; emitter-appended) ---
"""Pipeline reference for scband-dot-predictor-64166811402378 (READ-ONLY COPY).

The authoritative reference and input builder live on the scoring server;
editing this copy changes nothing except your own understanding.
"""

import jax, jax.numpy as jnp
import numpy as np


def setup_inputs(seed: int = 0) -> dict:
    key = jax.random.key(seed)
    k1, k2 = jax.random.split(key)
    h = jax.random.normal(k1, (10000, 256), dtype=jnp.float32)
    edges = jax.random.randint(k2, (2, 160000), 0, 10000, dtype=jnp.int64 if jax.config.jax_enable_x64 else jnp.int32)
    return {"h": h, "edges": edges}


def reference(h, edges):
    u = edges[0]
    v = edges[1]
    hu = jnp.take(h, u, axis=0)
    hv = jnp.take(h, v, axis=0)
    score = jnp.sum(hu * hv, axis=1)
    return score

if __name__ == "__main__":
    import jax
    _d = setup_inputs()
    print(jax.jit(kernel)(*tuple(_d.values())))

</pallas_src>

<mosaic_0001>
#map = affine_map<(d0, d1) -> (0, 0)>
#map1 = affine_map<(d0, d1) -> (0)>
module attributes {stable_mosaic.version = 14 : i64} {
  func.func @_body(%arg0: i32, %arg1: i32, %arg2: memref<10000x128xf32, #tpu.memory_space<hbm>>, %arg3: memref<163840xi32, #tpu.memory_space<hbm>>, %arg4: memref<163840xi32, #tpu.memory_space<hbm>>, %arg5: memref<163840xf32, #tpu.memory_space<hbm>>, %arg6: memref<5120xi32, #tpu.memory_space<vmem>>, %arg7: memref<5120xi32, #tpu.memory_space<vmem>>, %arg8: memref<10000x128xf32, #tpu.memory_space<vmem_shared>>, %arg9: memref<32x128xf32, #tpu.memory_space<vmem>>, %arg10: memref<32x128xf32, #tpu.memory_space<vmem>>, %arg11: memref<32x128xf32, #tpu.memory_space<vmem>>, %arg12: memref<32x128xf32, #tpu.memory_space<vmem>>, %arg13: memref<32x128xf32, #tpu.memory_space<vmem>>, %arg14: memref<32x128xf32, #tpu.memory_space<vmem>>, %arg15: memref<32x128xf32, #tpu.memory_space<vmem>>, %arg16: memref<32x128xf32, #tpu.memory_space<vmem>>, %arg17: memref<5120xf32, #tpu.memory_space<vmem>>, %arg18: memref<!tpu.dma_semaphore, #tpu.memory_space<semaphore_mem>>, %arg19: memref<!tpu.dma_semaphore, #tpu.memory_space<semaphore_mem>>, %arg20: memref<!tpu.dma_semaphore, #tpu.memory_space<semaphore_mem>>, %arg21: memref<!tpu.dma_semaphore, #tpu.memory_space<semaphore_mem>>, %arg22: memref<!tpu.dma_semaphore, #tpu.memory_space<semaphore_mem>>, %arg23: memref<!tpu.dma_semaphore, #tpu.memory_space<semaphore_mem>>, %arg24: memref<!tpu.dma_semaphore, #tpu.memory_space<semaphore_mem>>, %arg25: memref<!tpu.dma_semaphore, #tpu.memory_space<semaphore_mem>>) attributes {dimension_semantics = [#tpu.dimension_semantics<core_parallel>, #tpu.dimension_semantics<subcore_parallel>], iteration_bounds = array<i64: 2, 16>, scalar_prefetch = 0 : i64, scratch_operands = 20 : i64, tpu.core_type = #tpu.core_type<sc_vector_subcore>, window_params = [{transform_indices = #map}, {transform_indices = #map1}, {transform_indices = #map1}, {transform_indices = #map1}]} {
    %mul3A = arith.constant 2 : i32
    %mul3A_0 = arith.muli %arg1, %mul3A : i32
    %add3A = arith.addi %mul3A_0, %arg0 : i32
    %mul3A_1 = arith.constant 5120 : i32
    %mul3A_2 = arith.muli %add3A, %mul3A_1 : i32
    %mul3A_3 = arith.constant 625 : i32
    %mul3A_4 = arith.muli %arg1, %mul3A_3 : i32
    %mul3A_5 = arith.constant 625 : i32
    %mul3A_6 = arith.muli %arg1, %mul3A_5 : i32
    "tpu.region"() ({
      %run_scoped3A = tpu.sem_alloc : memref<!tpu.dma_semaphore, #tpu.memory_space<semaphore_mem>>
      %dma_start3A_47 = arith.constant 0 : i32
      %dma_start3A_48 = tpu.memref_slice %arg8[%mul3A_6, %dma_start3A_47] : memref<10000x128xf32, #tpu.memory_space<vmem_shared>> -> memref<625x128xf32, #tpu.memory_space<vmem_shared>>
      %dma_start3A_49 = arith.constant 0 : i32
      %dma_start3A_50 = tpu.memref_slice %arg2[%mul3A_4, %dma_start3A_49] : memref<10000x128xf32, #tpu.memory_space<hbm>> -> memref<625x128xf32, #tpu.memory_space<hbm>>
      tpu.enqueue_dma source(%dma_start3A_50 : memref<625x128xf32, #tpu.memory_space<hbm>>) target(%dma_start3A_48 : memref<625x128xf32, #tpu.memory_space<vmem_shared>>) target_semaphore(%run_scoped3A : memref<!tpu.dma_semaphore, #tpu.memory_space<semaphore_mem>>)
      %dma_wait3A = arith.constant 0 : i32
      %dma_wait3A_51 = tpu.memref_slice %arg8[%mul3A_6, %dma_wait3A] : memref<10000x128xf32, #tpu.memory_space<vmem_shared>> -> memref<625x128xf32, #tpu.memory_space<vmem_shared>>
      %dma_wait3A_52 = arith.constant 0 : i32
      %dma_wait3A_53 = tpu.memref_slice %arg2[%mul3A_4, %dma_wait3A_52] : memref<10000x128xf32, #tpu.memory_space<hbm>> -> memref<625x128xf32, #tpu.memory_space<hbm>>
      tpu.wait_dma2 semaphore(%run_scoped3A : memref<!tpu.dma_semaphore, #tpu.memory_space<semaphore_mem>>) src(%dma_wait3A_53 : memref<625x128xf32, #tpu.memory_space<hbm>>) dst(%dma_wait3A_51 : memref<625x128xf32, #tpu.memory_space<vmem_shared>>)
      tpu.yield
    }) : () -> ()
    %barrier3A = arith.constant 0 : index
    tpu.barrier barrier_id(%barrier3A)
    "tpu.region"() ({
      %run_scoped3A = tpu.sem_alloc : memref<!tpu.dma_semaphore, #tpu.memory_space<semaphore_mem>>
      %dma_start3A_47 = tpu.memref_slice %arg3[%mul3A_2] : memref<163840xi32, #tpu.memory_space<hbm>> -> memref<5120xi32, #tpu.memory_space<hbm>>
      %dma_start3A_48 = tpu.memref_slice %arg3[%mul3A_2] : memref<163840xi32, #tpu.memory_space<hbm>> -> memref<5120xi32, #tpu.memory_space<hbm>>
      tpu.enqueue_dma source(%dma_start3A_48 : memref<5120xi32, #tpu.memory_space<hbm>>) target(%arg6 : memref<5120xi32, #tpu.memory_space<vmem>>) target_semaphore(%run_scoped3A : memref<!tpu.dma_semaphore, #tpu.memory_space<semaphore_mem>>)
      %dma_wait3A = tpu.memref_slice %arg3[%mul3A_2] : memref<163840xi32, #tpu.memory_space<hbm>> -> memref<5120xi32, #tpu.memory_space<hbm>>
      %dma_wait3A_49 = tpu.memref_slice %arg3[%mul3A_2] : memref<163840xi32, #tpu.memory_space<hbm>> -> memref<5120xi32, #tpu.memory_space<hbm>>
      tpu.wait_dma2 semaphore(%run_scoped3A : memref<!tpu.dma_semaphore, #tpu.memory_space<semaphore_mem>>) src(%dma_wait3A_49 : memref<5120xi32, #tpu.memory_space<hbm>>) dst(%arg6 : memref<5120xi32, #tpu.memory_space<vmem>>)
      tpu.yield
    }) : () -> ()
    "tpu.region"() ({
      %run_scoped3A = tpu.sem_alloc : memref<!tpu.dma_semaphore, #tpu.memory_space<semaphore_mem>>
      %dma_start3A_47 = tpu.memref_slice %arg4[%mul3A_2] : memref<163840xi32, #tpu.memory_space<hbm>> -> memref<5120xi32, #tpu.memory_space<hbm>>
      %dma_start3A_48 = tpu.memref_slice %arg4[%mul3A_2] : memref<163840xi32, #tpu.memory_space<hbm>> -> memref<5120xi32, #tpu.memory_space<hbm>>
      tpu.enqueue_dma source(%dma_start3A_48 : memref<5120xi32, #tpu.memory_space<hbm>>) target(%arg7 : memref<5120xi32, #tpu.memory_space<vmem>>) target_semaphore(%run_scoped3A : memref<!tpu.dma_semaphore, #tpu.memory_space<semaphore_mem>>)
      %dma_wait3A = tpu.memref_slice %arg4[%mul3A_2] : memref<163840xi32, #tpu.memory_space<hbm>> -> memref<5120xi32, #tpu.memory_space<hbm>>
      %dma_wait3A_49 = tpu.memref_slice %arg4[%mul3A_2] : memref<163840xi32, #tpu.memory_space<hbm>> -> memref<5120xi32, #tpu.memory_space<hbm>>
      tpu.wait_dma2 semaphore(%run_scoped3A : memref<!tpu.dma_semaphore, #tpu.memory_space<semaphore_mem>>) src(%dma_wait3A_49 : memref<5120xi32, #tpu.memory_space<hbm>>) dst(%arg7 : memref<5120xi32, #tpu.memory_space<vmem>>)
      tpu.yield
    }) : () -> ()
    %iota3A = tpu.iota {dimensions = array<i32: 0>} : vector<16xi32>
    %add3A_7 = arith.constant 0 : i32
    %add3A_8 = vector.broadcast %add3A_7 : i32 to vector<16xi32>
    %add3A_9 = arith.addi %iota3A, %add3A_8 : vector<16xi32>
    %add3A_10 = arith.constant 16 : i32
    %add3A_11 = vector.broadcast %add3A_10 : i32 to vector<16xi32>
    %add3A_12 = arith.addi %iota3A, %add3A_11 : vector<16xi32>
    %dma_start3A = arith.constant 0 : i32
    %dma_start3A_13 = tpu.memref_slice %arg6[%dma_start3A] : memref<5120xi32, #tpu.memory_space<vmem>> -> memref<32xi32, #tpu.memory_space<vmem>>
    %dma_start3A_14 = arith.constant 0 : i32
    %dma_start3A_15 = arith.constant 0 : i32
    %dma_start3A_16 = tpu.memref_slice %arg8[%dma_start3A_14, %dma_start3A_15] : memref<10000x128xf32, #tpu.memory_space<vmem_shared>> -> memref<10000x128xf32, #tpu.memory_space<vmem_shared>>
    tpu.enqueue_indirect_dma source(%dma_start3A_16 : memref<10000x128xf32, #tpu.memory_space<vmem_shared>>) target(%arg9 : memref<32x128xf32, #tpu.memory_space<vmem>>) offsets(%dma_start3A_13 : memref<32xi32, #tpu.memory_space<vmem>>) semaphore(%arg18 : memref<!tpu.dma_semaphore, #tpu.memory_space<semaphore_mem>>)
    %dma_start3A_17 = arith.constant 0 : i32
    %dma_start3A_18 = tpu.memref_slice %arg7[%dma_start3A_17] : memref<5120xi32, #tpu.memory_space<vmem>> -> memref<32xi32, #tpu.memory_space<vmem>>
    %dma_start3A_19 = arith.constant 0 : i32
    %dma_start3A_20 = arith.constant 0 : i32
    %dma_start3A_21 = tpu.memref_slice %arg8[%dma_start3A_19, %dma_start3A_20] : memref<10000x128xf32, #tpu.memory_space<vmem_shared>> -> memref<10000x128xf32, #tpu.memory_space<vmem_shared>>
    tpu.enqueue_indirect_dma source(%dma_start3A_21 : memref<10000x128xf32, #tpu.memory_space<vmem_shared>>) target(%arg10 : memref<32x128xf32, #tpu.memory_space<vmem>>) offsets(%dma_start3A_18 : memref<32xi32, #tpu.memory_space<vmem>>) semaphore(%arg19 : memref<!tpu.dma_semaphore, #tpu.memory_space<semaphore_mem>>)
    %dma_start3A_22 = arith.constant 32 : i32
    %dma_start3A_23 = tpu.memref_slice %arg6[%dma_start3A_22] : memref<5120xi32, #tpu.memory_space<vmem>> -> memref<32xi32, #tpu.memory_space<vmem>>
    %dma_start3A_24 = arith.constant 0 : i32
    %dma_start3A_25 = arith.constant 0 : i32
    %dma_start3A_26 = tpu.memref_slice %arg8[%dma_start3A_24, %dma_start3A_25] : memref<10000x128xf32, #tpu.memory_space<vmem_shared>> -> memref<10000x128xf32, #tpu.memory_space<vmem_shared>>
    tpu.enqueue_indirect_dma source(%dma_start3A_26 : memref<10000x128xf32, #tpu.memory_space<vmem_shared>>) target(%arg11 : memref<32x128xf32, #tpu.memory_space<vmem>>) offsets(%dma_start3A_23 : memref<32xi32, #tpu.memory_space<vmem>>) semaphore(%arg20 : memref<!tpu.dma_semaphore, #tpu.memory_space<semaphore_mem>>)
    %dma_start3A_27 = arith.constant 32 : i32
    %dma_start3A_28 = tpu.memref_slice %arg7[%dma_start3A_27] : memref<5120xi32, #tpu.memory_space<vmem>> -> memref<32xi32, #tpu.memory_space<vmem>>
    %dma_start3A_29 = arith.constant 0 : i32
    %dma_start3A_30 = arith.constant 0 : i32
    %dma_start3A_31 = tpu.memref_slice %arg8[%dma_start3A_29, %dma_start3A_30] : memref<10000x128xf32, #tpu.memory_space<vmem_shared>> -> memref<10000x128xf32, #tpu.memory_space<vmem_shared>>
    tpu.enqueue_indirect_dma source(%dma_start3A_31 : memref<10000x128xf32, #tpu.memory_space<vmem_shared>>) target(%arg12 : memref<32x128xf32, #tpu.memory_space<vmem>>) offsets(%dma_start3A_28 : memref<32xi32, #tpu.memory_space<vmem>>) semaphore(%arg21 : memref<!tpu.dma_semaphore, #tpu.memory_space<semaphore_mem>>)
    %dma_start3A_32 = arith.constant 64 : i32
    %dma_start3A_33 = tpu.memref_slice %arg6[%dma_start3A_32] : memref<5120xi32, #tpu.memory_space<vmem>> -> memref<32xi32, #tpu.memory_space<vmem>>
    %dma_start3A_34 = arith.constant 0 : i32
    %dma_start3A_35 = arith.constant 0 : i32
    %dma_start3A_36 = tpu.memref_slice %arg8[%dma_start3A_34, %dma_start3A_35] : memref<10000x128xf32, #tpu.memory_space<vmem_shared>> -> memref<10000x128xf32, #tpu.memory_space<vmem_shared>>
    tpu.enqueue_indirect_dma source(%dma_start3A_36 : memref<10000x128xf32, #tpu.memory_space<vmem_shared>>) target(%arg13 : memref<32x128xf32, #tpu.memory_space<vmem>>) offsets(%dma_start3A_33 : memref<32xi32, #tpu.memory_space<vmem>>) semaphore(%arg22 : memref<!tpu.dma_semaphore, #tpu.memory_space<semaphore_mem>>)
    %dma_start3A_37 = arith.constant 64 : i32
    %dma_start3A_38 = tpu.memref_slice %arg7[%dma_start3A_37] : memref<5120xi32, #tpu.memory_space<vmem>> -> memref<32xi32, #tpu.memory_space<vmem>>
    %dma_start3A_39 = arith.constant 0 : i32
    %dma_start3A_40 = arith.constant 0 : i32
    %dma_start3A_41 = tpu.memref_slice %arg8[%dma_start3A_39, %dma_start3A_40] : memref<10000x128xf32, #tpu.memory_space<vmem_shared>> -> memref<10000x128xf32, #tpu.memory_space<vmem_shared>>
    tpu.enqueue_indirect_dma source(%dma_start3A_41 : memref<10000x128xf32, #tpu.memory_space<vmem_shared>>) target(%arg14 : memref<32x128xf32, #tpu.memory_space<vmem>>) offsets(%dma_start3A_38 : memref<32xi32, #tpu.memory_space<vmem>>) semaphore(%arg23 : memref<!tpu.dma_semaphore, #tpu.memory_space<semaphore_mem>>)
    %scan3A = arith.constant 0 : i32
    %scan3A_42 = arith.constant 0 : i32
    %scan3A_43 = arith.constant 40 : i32
    %scan3A_44 = arith.addi %scan3A_42, %scan3A_43 : i32
    %scan3A_45 = arith.constant 1 : i32
    scf.for %scan3A_47 = %scan3A_42 to %scan3A_44 step %scan3A_45  : i32 {
      %mul3A_48 = arith.constant 4 : i32
      %mul3A_49 = arith.muli %mul3A_48, %scan3A_47 : i32
      %add3A_50 = arith.constant 0 : i32
      %add3A_51 = arith.addi %mul3A_49, %add3A_50 : i32
      %add3A_52 = arith.constant 3 : i32
      %add3A_53 = arith.addi %add3A_51, %add3A_52 : i32
      %lt3A = arith.constant 160 : i32
      %lt3A_54 = arith.cmpi slt, %add3A_53, %lt3A : i32
      %convert_element_type3A = arith.extui %lt3A_54 : i1 to i32
      %cond3A = arith.constant 0 : i32
      %cond3A_55 = arith.cmpi ne, %convert_element_type3A, %cond3A : i32
      scf.if %cond3A_55 {
        %mul3A_229 = arith.constant 32 : i32
        %mul3A_230 = arith.muli %add3A_53, %mul3A_229 : i32
        %dma_start3A_231 = tpu.memref_slice %arg6[%mul3A_230] : memref<5120xi32, #tpu.memory_space<vmem>> -> memref<32xi32, #tpu.memory_space<vmem>>
        %dma_start3A_232 = arith.constant 0 : i32
        %dma_start3A_233 = arith.constant 0 : i32
        %dma_start3A_234 = tpu.memref_slice %arg8[%dma_start3A_232, %dma_start3A_233] : memref<10000x128xf32, #tpu.memory_space<vmem_shared>> -> memref<10000x128xf32, #tpu.memory_space<vmem_shared>>
        tpu.enqueue_indirect_dma source(%dma_start3A_234 : memref<10000x128xf32, #tpu.memory_space<vmem_shared>>) target(%arg15 : memref<32x128xf32, #tpu.memory_space<vmem>>) offsets(%dma_start3A_231 : memref<32xi32, #tpu.memory_space<vmem>>) semaphore(%arg24 : memref<!tpu.dma_semaphore, #tpu.memory_space<semaphore_mem>>)
        %mul3A_235 = arith.constant 32 : i32
        %mul3A_236 = arith.muli %add3A_53, %mul3A_235 : i32
        %dma_start3A_237 = tpu.memref_slice %arg7[%mul3A_236] : memref<5120xi32, #tpu.memory_space<vmem>> -> memref<32xi32, #tpu.memory_space<vmem>>
        %dma_start3A_238 = arith.constant 0 : i32
        %dma_start3A_239 = arith.constant 0 : i32
        %dma_start3A_240 = tpu.memref_slice %arg8[%dma_start3A_238, %dma_start3A_239] : memref<10000x128xf32, #tpu.memory_space<vmem_shared>> -> memref<10000x128xf32, #tpu.memory_space<vmem_shared>>
        tpu.enqueue_indirect_dma source(%dma_start3A_240 : memref<10000x128xf32, #tpu.memory_space<vmem_shared>>) target(%arg16 : memref<32x128xf32, #tpu.memory_space<vmem>>) offsets(%dma_start3A_237 : memref<32xi32, #tpu.memory_space<vmem>>) semaphore(%arg25 : memref<!tpu.dma_semaphore, #tpu.memory_space<semaphore_mem>>)
      } else {
      }
      %dma_wait3A = arith.constant 0 : i32
      %dma_wait3A_56 = tpu.memref_slice %arg6[%dma_wait3A] : memref<5120xi32, #tpu.memory_space<vmem>> -> memref<32xi32, #tpu.memory_space<vmem>>
      %dma_wait3A_57 = arith.constant 0 : i32
      %dma_wait3A_58 = arith.constant 0 : i32
      %dma_wait3A_59 = tpu.memref_slice %arg8[%dma_wait3A_57, %dma_wait3A_58] : memref<10000x128xf32, #tpu.memory_space<vmem_shared>> -> memref<10000x128xf32, #tpu.memory_space<vmem_shared>>
      tpu.wait_indirect_dma semaphore(%arg18 : memref<!tpu.dma_semaphore, #tpu.memory_space<semaphore_mem>>) src(%dma_wait3A_59 : memref<10000x128xf32, #tpu.memory_space<vmem_shared>>) dst(%arg9 : memref<32x128xf32, #tpu.memory_space<vmem>>)
      %dma_wait3A_60 = arith.constant 0 : i32
      %dma_wait3A_61 = tpu.memref_slice %arg7[%dma_wait3A_60] : memref<5120xi32, #tpu.memory_space<vmem>> -> memref<32xi32, #tpu.memory_space<vmem>>
      %dma_wait3A_62 = arith.constant 0 : i32
      %dma_wait3A_63 = arith.constant 0 : i32
      %dma_wait3A_64 = tpu.memref_slice %arg8[%dma_wait3A_62, %dma_wait3A_63] : memref<10000x128xf32, #tpu.memory_space<vmem_shared>> -> memref<10000x128xf32, #tpu.memory_space<vmem_shared>>
      tpu.wait_indirect_dma semaphore(%arg19 : memref<!tpu.dma_semaphore, #tpu.memory_space<semaphore_mem>>) src(%dma_wait3A_64 : memref<10000x128xf32, #tpu.memory_space<vmem_shared>>) dst(%arg10 : memref<32x128xf32, #tpu.memory_space<vmem>>)
      %broadcast_in_dim3A = arith.constant 0.000000e+00 : f32
      %broadcast_in_dim3A_65 = vector.broadcast %broadcast_in_dim3A : f32 to vector<16xf32>
      %broadcast_in_dim3A_66 = arith.constant 0.000000e+00 : f32
      %broadcast_in_dim3A_67 = vector.broadcast %broadcast_in_dim3A_66 : f32 to vector<16xf32>
      %broadcast_in_dim3A_68 = arith.constant 0.000000e+00 : f32
      %broadcast_in_dim3A_69 = vector.broadcast %broadcast_in_dim3A_68 : f32 to vector<16xf32>
      %broadcast_in_dim3A_70 = arith.constant 0.000000e+00 : f32
      %broadcast_in_dim3A_71 = vector.broadcast %broadcast_in_dim3A_70 : f32 to vector<16xf32>
      %parallel_loop3A = arith.constant 0 : i32
      %parallel_loop3A_72 = arith.constant 128 : i32
      %parallel_loop3A_73 = arith.constant 1 : i32
      %parallel_loop3A_74:4 = scf.for %parallel_loop3A_229 = %parallel_loop3A to %parallel_loop3A_72 step %parallel_loop3A_73 iter_args(%parallel_loop3A_230 = %broadcast_in_dim3A_65, %parallel_loop3A_231 = %broadcast_in_dim3A_67, %parallel_loop3A_232 = %broadcast_in_dim3A_69, %parallel_loop3A_233 = %broadcast_in_dim3A_71) -> (vector<16xf32>, vector<16xf32>, vector<16xf32>, vector<16xf32>)  : i32 {
        %parallel_loop3A_234 = vector.broadcast %parallel_loop3A_229 : i32 to vector<16xi32>
        %parallel_loop3A_235 = arith.addi %parallel_loop3A_234, %iota3A : vector<16xi32>
        %parallel_loop3A_236 = arith.constant 127 : i32
        %parallel_loop3A_237 = vector.broadcast %parallel_loop3A_236 : i32 to vector<16xi32>
        %parallel_loop3A_238 = arith.andi %parallel_loop3A_235, %parallel_loop3A_237 : vector<16xi32>
        %parallel_loop3A_239 = tpu.vector_load_idx %arg9[%add3A_9, %parallel_loop3A_238] : memref<32x128xf32, #tpu.memory_space<vmem>>[vector<16xi32>, vector<16xi32>], vector<16xf32>,
        %parallel_loop3A_240 = tpu.vector_load_idx %arg10[%add3A_9, %parallel_loop3A_238] : memref<32x128xf32, #tpu.memory_space<vmem>>[vector<16xi32>, vector<16xi32>], vector<16xf32>,
        %parallel_loop3A_241 = vector.bitcast %parallel_loop3A_239 : vector<16xf32> to vector<32xbf16>
        %parallel_loop3A_242 = tpu.unpack_subelements %parallel_loop3A_241, 0 {pack_format = #tpu.pack_format<interleaved>} : vector<32xbf16> -> vector<16xf32>
        %parallel_loop3A_243 = tpu.unpack_subelements %parallel_loop3A_241, 1 {pack_format = #tpu.pack_format<interleaved>} : vector<32xbf16> -> vector<16xf32>
        %parallel_loop3A_244 = vector.bitcast %parallel_loop3A_240 : vector<16xf32> to vector<32xbf16>
        %parallel_loop3A_245 = tpu.unpack_subelements %parallel_loop3A_244, 0 {pack_format = #tpu.pack_format<interleaved>} : vector<32xbf16> -> vector<16xf32>
        %parallel_loop3A_246 = tpu.unpack_subelements %parallel_loop3A_244, 1 {pack_format = #tpu.pack_format<interleaved>} : vector<32xbf16> -> vector<16xf32>
        %parallel_loop3A_247 = arith.mulf %parallel_loop3A_242, %parallel_loop3A_245 : vector<16xf32>
        %parallel_loop3A_248 = arith.addf %parallel_loop3A_230, %parallel_loop3A_247 : vector<16xf32>
        %parallel_loop3A_249 = arith.mulf %parallel_loop3A_243, %parallel_loop3A_246 : vector<16xf32>
        %parallel_loop3A_250 = arith.addf %parallel_loop3A_231, %parallel_loop3A_249 : vector<16xf32>
        %parallel_loop3A_251 = tpu.vector_load_idx %arg9[%add3A_12, %parallel_loop3A_238] : memref<32x128xf32, #tpu.memory_space<vmem>>[vector<16xi32>, vector<16xi32>], vector<16xf32>,
        %parallel_loop3A_252 = tpu.vector_load_idx %arg10[%add3A_12, %parallel_loop3A_238] : memref<32x128xf32, #tpu.memory_space<vmem>>[vector<16xi32>, vector<16xi32>], vector<16xf32>,
        %parallel_loop3A_253 = vector.bitcast %parallel_loop3A_251 : vector<16xf32> to vector<32xbf16>
        %parallel_loop3A_254 = tpu.unpack_subelements %parallel_loop3A_253, 0 {pack_format = #tpu.pack_format<interleaved>} : vector<32xbf16> -> vector<16xf32>
        %parallel_loop3A_255 = tpu.unpack_subelements %parallel_loop3A_253, 1 {pack_format = #tpu.pack_format<interleaved>} : vector<32xbf16> -> vector<16xf32>
        %parallel_loop3A_256 = vector.bitcast %parallel_loop3A_252 : vector<16xf32> to vector<32xbf16>
        %parallel_loop3A_257 = tpu.unpack_subelements %parallel_loop3A_256, 0 {pack_format = #tpu.pack_format<interleaved>} : vector<32xbf16> -> vector<16xf32>
        %parallel_loop3A_258 = tpu.unpack_subelements %parallel_loop3A_256, 1 {pack_format = #tpu.pack_format<interleaved>} : vector<32xbf16> -> vector<16xf32>
        %parallel_loop3A_259 = arith.mulf %parallel_loop3A_254, %parallel_loop3A_257 : vector<16xf32>
        %parallel_loop3A_260 = arith.addf %parallel_loop3A_232, %parallel_loop3A_259 : vector<16xf32>
        %parallel_loop3A_261 = arith.mulf %parallel_loop3A_255, %parallel_loop3A_258 : vector<16xf32>
        %parallel_loop3A_262 = arith.addf %parallel_loop3A_233, %parallel_loop3A_261 : vector<16xf32>
        scf.yield %parallel_loop3A_248, %parallel_loop3A_250, %parallel_loop3A_260, %parallel_loop3A_262 : vector<16xf32>, vector<16xf32>, vector<16xf32>, vector<16xf32>
      } {sc.loop_unroll_factor = 4 : i64, sc.parallel_access}
      %add3A_75 = arith.addf %parallel_loop3A_74#0, %parallel_loop3A_74#1 : vector<16xf32>
      %mul3A_76 = arith.constant 32 : i32
      %mul3A_77 = arith.muli %add3A_51, %mul3A_76 : i32
      %add3A_78 = arith.constant 0 : i32
      %add3A_79 = arith.addi %mul3A_77, %add3A_78 : i32
      %swap3A = arith.index_cast %add3A_79 : i32 to index
      %swap3A_80 = tpu.vector_load %arg17[%swap3A] {strides = array<i32>} : memref<5120xf32, #tpu.memory_space<vmem>>, vector<16xf32>,
      tpu.vector_store %arg17[%swap3A], %add3A_75 {strides = array<i32>} : memref<5120xf32, #tpu.memory_space<vmem>>, vector<16xf32>,
      %add3A_81 = arith.addf %parallel_loop3A_74#2, %parallel_loop3A_74#3 : vector<16xf32>
      %mul3A_82 = arith.constant 32 : i32
      %mul3A_83 = arith.muli %add3A_51, %mul3A_82 : i32
      %add3A_84 = arith.constant 16 : i32
      %add3A_85 = arith.addi %mul3A_83, %add3A_84 : i32
      %swap3A_86 = arith.index_cast %add3A_85 : i32 to index
      %swap3A_87 = tpu.vector_load %arg17[%swap3A_86] {strides = array<i32>} : memref<5120xf32, #tpu.memory_space<vmem>>, vector<16xf32>,
      tpu.vector_store %arg17[%swap3A_86], %add3A_81 {strides = array<i32>} : memref<5120xf32, #tpu.memory_space<vmem>>, vector<16xf32>,
      %mul3A_88 = arith.constant 4 : i32
      %mul3A_89 = arith.muli %mul3A_88, %scan3A_47 : i32
      %add3A_90 = arith.constant 1 : i32
      %add3A_91 = arith.addi %mul3A_89, %add3A_90 : i32
      %add3A_92 = arith.constant 3 : i32
      %add3A_93 = arith.addi %add3A_91, %add3A_92 : i32
      %lt3A_94 = arith.constant 160 : i32
      %lt3A_95 = arith.cmpi slt, %add3A_93, %lt3A_94 : i32
      %convert_element_type3A_96 = arith.extui %lt3A_95 : i1 to i32
      %cond3A_97 = arith.constant 0 : i32
      %cond3A_98 = arith.cmpi ne, %convert_element_type3A_96, %cond3A_97 : i32
      scf.if %cond3A_98 {
        %mul3A_229 = arith.constant 32 : i32
        %mul3A_230 = arith.muli %add3A_93, %mul3A_229 : i32
        %dma_start3A_231 = tpu.memref_slice %arg6[%mul3A_230] : memref<5120xi32, #tpu.memory_space<vmem>> -> memref<32xi32, #tpu.memory_space<vmem>>
        %dma_start3A_232 = arith.constant 0 : i32
        %dma_start3A_233 = arith.constant 0 : i32
        %dma_start3A_234 = tpu.memref_slice %arg8[%dma_start3A_232, %dma_start3A_233] : memref<10000x128xf32, #tpu.memory_space<vmem_shared>> -> memref<10000x128xf32, #tpu.memory_space<vmem_shared>>
        tpu.enqueue_indirect_dma source(%dma_start3A_234 : memref<10000x128xf32, #tpu.memory_space<vmem_shared>>) target(%arg9 : memref<32x128xf32, #tpu.memory_space<vmem>>) offsets(%dma_start3A_231 : memref<32xi32, #tpu.memory_space<vmem>>) semaphore(%arg18 : memref<!tpu.dma_semaphore, #tpu.memory_space<semaphore_mem>>)
        %mul3A_235 = arith.constant 32 : i32
        %mul3A_236 = arith.muli %add3A_93, %mul3A_235 : i32
        %dma_start3A_237 = tpu.memref_slice %arg7[%mul3A_236] : memref<5120xi32, #tpu.memory_space<vmem>> -> memref<32xi32, #tpu.memory_space<vmem>>
        %dma_start3A_238 = arith.constant 0 : i32
        %dma_start3A_239 = arith.constant 0 : i32
        %dma_start3A_240 = tpu.memref_slice %arg8[%dma_start3A_238, %dma_start3A_239] : memref<10000x128xf32, #tpu.memory_space<vmem_shared>> -> memref<10000x128xf32, #tpu.memory_space<vmem_shared>>
        tpu.enqueue_indirect_dma source(%dma_start3A_240 : memref<10000x128xf32, #tpu.memory_space<vmem_shared>>) target(%arg10 : memref<32x128xf32, #tpu.memory_space<vmem>>) offsets(%dma_start3A_237 : memref<32xi32, #tpu.memory_space<vmem>>) semaphore(%arg19 : memref<!tpu.dma_semaphore, #tpu.memory_space<semaphore_mem>>)
      } else {
      }
      %dma_wait3A_99 = arith.constant 0 : i32
      %dma_wait3A_100 = tpu.memref_slice %arg6[%dma_wait3A_99] : memref<5120xi32, #tpu.memory_space<vmem>> -> memref<32xi32, #tpu.memory_space<vmem>>
      %dma_wait3A_101 = arith.constant 0 : i32
      %dma_wait3A_102 = arith.constant 0 : i32
      %dma_wait3A_103 = tpu.memref_slice %arg8[%dma_wait3A_101, %dma_wait3A_102] : memref<10000x128xf32, #tpu.memory_space<vmem_shared>> -> memref<10000x128xf32, #tpu.memory_space<vmem_shared>>
      tpu.wait_indirect_dma semaphore(%arg20 : memref<!tpu.dma_semaphore, #tpu.memory_space<semaphore_mem>>) src(%dma_wait3A_103 : memref<10000x128xf32, #tpu.memory_space<vmem_shared>>) dst(%arg11 : memref<32x128xf32, #tpu.memory_space<vmem>>)
      %dma_wait3A_104 = arith.constant 0 : i32
      %dma_wait3A_105 = tpu.memref_slice %arg7[%dma_wait3A_104] : memref<5120xi32, #tpu.memory_space<vmem>> -> memref<32xi32, #tpu.memory_space<vmem>>
      %dma_wait3A_106 = arith.constant 0 : i32
      %dma_wait3A_107 = arith.constant 0 : i32
      %dma_wait3A_108 = tpu.memref_slice %arg8[%dma_wait3A_106, %dma_wait3A_107] : memref<10000x128xf32, #tpu.memory_space<vmem_shared>> -> memref<10000x128xf32, #tpu.memory_space<vmem_shared>>
      tpu.wait_indirect_dma semaphore(%arg21 : memref<!tpu.dma_semaphore, #tpu.memory_space<semaphore_mem>>) src(%dma_wait3A_108 : memref<10000x128xf32, #tpu.memory_space<vmem_shared>>) dst(%arg12 : memref<32x128xf32, #tpu.memory_space<vmem>>)
      %broadcast_in_dim3A_109 = arith.constant 0.000000e+00 : f32
      %broadcast_in_dim3A_110 = vector.broadcast %broadcast_in_dim3A_109 : f32 to vector<16xf32>
      %broadcast_in_dim3A_111 = arith.constant 0.000000e+00 : f32
      %broadcast_in_dim3A_112 = vector.broadcast %broadcast_in_dim3A_111 : f32 to vector<16xf32>
      %broadcast_in_dim3A_113 = arith.constant 0.000000e+00 : f32
      %broadcast_in_dim3A_114 = vector.broadcast %broadcast_in_dim3A_113 : f32 to vector<16xf32>
      %broadcast_in_dim3A_115 = arith.constant 0.000000e+00 : f32
      %broadcast_in_dim3A_116 = vector.broadcast %broadcast_in_dim3A_115 : f32 to vector<16xf32>
      %parallel_loop3A_117 = arith.constant 0 : i32
      %parallel_loop3A_118 = arith.constant 128 : i32
      %parallel_loop3A_119 = arith.constant 1 : i32
      %parallel_loop3A_120:4 = scf.for %parallel_loop3A_229 = %parallel_loop3A_117 to %parallel_loop3A_118 step %parallel_loop3A_119 iter_args(%parallel_loop3A_230 = %broadcast_in_dim3A_110, %parallel_loop3A_231 = %broadcast_in_dim3A_112, %parallel_loop3A_232 = %broadcast_in_dim3A_114, %parallel_loop3A_233 = %broadcast_in_dim3A_116) -> (vector<16xf32>, vector<16xf32>, vector<16xf32>, vector<16xf32>)  : i32 {
        %parallel_loop3A_234 = vector.broadcast %parallel_loop3A_229 : i32 to vector<16xi32>
        %parallel_loop3A_235 = arith.addi %parallel_loop3A_234, %iota3A : vector<16xi32>
        %parallel_loop3A_236 = arith.constant 127 : i32
        %parallel_loop3A_237 = vector.broadcast %parallel_loop3A_236 : i32 to vector<16xi32>
        %parallel_loop3A_238 = arith.andi %parallel_loop3A_235, %parallel_loop3A_237 : vector<16xi32>
        %parallel_loop3A_239 = tpu.vector_load_idx %arg11[%add3A_9, %parallel_loop3A_238] : memref<32x128xf32, #tpu.memory_space<vmem>>[vector<16xi32>, vector<16xi32>], vector<16xf32>,
        %parallel_loop3A_240 = tpu.vector_load_idx %arg12[%add3A_9, %parallel_loop3A_238] : memref<32x128xf32, #tpu.memory_space<vmem>>[vector<16xi32>, vector<16xi32>], vector<16xf32>,
        %parallel_loop3A_241 = vector.bitcast %parallel_loop3A_239 : vector<16xf32> to vector<32xbf16>
        %parallel_loop3A_242 = tpu.unpack_subelements %parallel_loop3A_241, 0 {pack_format = #tpu.pack_format<interleaved>} : vector<32xbf16> -> vector<16xf32>
        %parallel_loop3A_243 = tpu.unpack_subelements %parallel_loop3A_241, 1 {pack_format = #tpu.pack_format<interleaved>} : vector<32xbf16> -> vector<16xf32>
        %parallel_loop3A_244 = vector.bitcast %parallel_loop3A_240 : vector<16xf32> to vector<32xbf16>
        %parallel_loop3A_245 = tpu.unpack_subelements %parallel_loop3A_244, 0 {pack_format = #tpu.pack_format<interleaved>} : vector<32xbf16> -> vector<16xf32>
        %parallel_loop3A_246 = tpu.unpack_subelements %parallel_loop3A_244, 1 {pack_format = #tpu.pack_format<interleaved>} : vector<32xbf16> -> vector<16xf32>
        %parallel_loop3A_247 = arith.mulf %parallel_loop3A_242, %parallel_loop3A_245 : vector<16xf32>
        %parallel_loop3A_248 = arith.addf %parallel_loop3A_230, %parallel_loop3A_247 : vector<16xf32>
        %parallel_loop3A_249 = arith.mulf %parallel_loop3A_243, %parallel_loop3A_246 : vector<16xf32>
        %parallel_loop3A_250 = arith.addf %parallel_loop3A_231, %parallel_loop3A_249 : vector<16xf32>
        %parallel_loop3A_251 = tpu.vector_load_idx %arg11[%add3A_12, %parallel_loop3A_238] : memref<32x128xf32, #tpu.memory_space<vmem>>[vector<16xi32>, vector<16xi32>], vector<16xf32>,
        %parallel_loop3A_252 = tpu.vector_load_idx %arg12[%add3A_12, %parallel_loop3A_238] : memref<32x128xf32, #tpu.memory_space<vmem>>[vector<16xi32>, vector<16xi32>], vector<16xf32>,
        %parallel_loop3A_253 = vector.bitcast %parallel_loop3A_251 : vector<16xf32> to vector<32xbf16>
        %parallel_loop3A_254 = tpu.unpack_subelements %parallel_loop3A_253, 0 {pack_format = #tpu.pack_format<interleaved>} : vector<32xbf16> -> vector<16xf32>
        %parallel_loop3A_255 = tpu.unpack_subelements %parallel_loop3A_253, 1 {pack_format = #tpu.pack_format<interleaved>} : vector<32xbf16> -> vector<16xf32>
        %parallel_loop3A_256 = vector.bitcast %parallel_loop3A_252 : vector<16xf32> to vector<32xbf16>
        %parallel_loop3A_257 = tpu.unpack_subelements %parallel_loop3A_256, 0 {pack_format = #tpu.pack_format<interleaved>} : vector<32xbf16> -> vector<16xf32>
        %parallel_loop3A_258 = tpu.unpack_subelements %parallel_loop3A_256, 1 {pack_format = #tpu.pack_format<interleaved>} : vector<32xbf16> -> vector<16xf32>
        %parallel_loop3A_259 = arith.mulf %parallel_loop3A_254, %parallel_loop3A_257 : vector<16xf32>
        %parallel_loop3A_260 = arith.addf %parallel_loop3A_232, %parallel_loop3A_259 : vector<16xf32>
        %parallel_loop3A_261 = arith.mulf %parallel_loop3A_255, %parallel_loop3A_258 : vector<16xf32>
        %parallel_loop3A_262 = arith.addf %parallel_loop3A_233, %parallel_loop3A_261 : vector<16xf32>
        scf.yield %parallel_loop3A_248, %parallel_loop3A_250, %parallel_loop3A_260, %parallel_loop3A_262 : vector<16xf32>, vector<16xf32>, vector<16xf32>, vector<16xf32>
      } {sc.loop_unroll_factor = 4 : i64, sc.parallel_access}
      %add3A_121 = arith.addf %parallel_loop3A_120#0, %parallel_loop3A_120#1 : vector<16xf32>
      %mul3A_122 = arith.constant 32 : i32
      %mul3A_123 = arith.muli %add3A_91, %mul3A_122 : i32
      %add3A_124 = arith.constant 0 : i32
      %add3A_125 = arith.addi %mul3A_123, %add3A_124 : i32
      %swap3A_126 = arith.index_cast %add3A_125 : i32 to index
      %swap3A_127 = tpu.vector_load %arg17[%swap3A_126] {strides = array<i32>} : memref<5120xf32, #tpu.memory_space<vmem>>, vector<16xf32>,
      tpu.vector_store %arg17[%swap3A_126], %add3A_121 {strides = array<i32>} : memref<5120xf32, #tpu.memory_space<vmem>>, vector<16xf32>,
      %add3A_128 = arith.addf %parallel_loop3A_120#2, %parallel_loop3A_120#3 : vector<16xf32>
      %mul3A_129 = arith.constant 32 : i32
      %mul3A_130 = arith.muli %add3A_91, %mul3A_129 : i32
      %add3A_131 = arith.constant 16 : i32
      %add3A_132 = arith.addi %mul3A_130, %add3A_131 : i32
      %swap3A_133 = arith.index_cast %add3A_132 : i32 to index
      %swap3A_134 = tpu.vector_load %arg17[%swap3A_133] {strides = array<i32>} : memref<5120xf32, #tpu.memory_space<vmem>>, vector<16xf32>,
      tpu.vector_store %arg17[%swap3A_133], %add3A_128 {strides = array<i32>} : memref<5120xf32, #tpu.memory_space<vmem>>, vector<16xf32>,
      %mul3A_135 = arith.constant 4 : i32
      %mul3A_136 = arith.muli %mul3A_135, %scan3A_47 : i32
      %add3A_137 = arith.constant 2 : i32
      %add3A_138 = arith.addi %mul3A_136, %add3A_137 : i32
      %add3A_139 = arith.constant 3 : i32
      %add3A_140 = arith.addi %add3A_138, %add3A_139 : i32
      %lt3A_141 = arith.constant 160 : i32
      %lt3A_142 = arith.cmpi slt, %add3A_140, %lt3A_141 : i32
      %convert_element_type3A_143 = arith.extui %lt3A_142 : i1 to i32
      %cond3A_144 = arith.constant 0 : i32
      %cond3A_145 = arith.cmpi ne, %convert_element_type3A_143, %cond3A_144 : i32
      scf.if %cond3A_145 {
        %mul3A_229 = arith.constant 32 : i32
        %mul3A_230 = arith.muli %add3A_140, %mul3A_229 : i32
        %dma_start3A_231 = tpu.memref_slice %arg6[%mul3A_230] : memref<5120xi32, #tpu.memory_space<vmem>> -> memref<32xi32, #tpu.memory_space<vmem>>
        %dma_start3A_232 = arith.constant 0 : i32
        %dma_start3A_233 = arith.constant 0 : i32
        %dma_start3A_234 = tpu.memref_slice %arg8[%dma_start3A_232, %dma_start3A_233] : memref<10000x128xf32, #tpu.memory_space<vmem_shared>> -> memref<10000x128xf32, #tpu.memory_space<vmem_shared>>
        tpu.enqueue_indirect_dma source(%dma_start3A_234 : memref<10000x128xf32, #tpu.memory_space<vmem_shared>>) target(%arg11 : memref<32x128xf32, #tpu.memory_space<vmem>>) offsets(%dma_start3A_231 : memref<32xi32, #tpu.memory_space<vmem>>) semaphore(%arg20 : memref<!tpu.dma_semaphore, #tpu.memory_space<semaphore_mem>>)
        %mul3A_235 = arith.constant 32 : i32
        %mul3A_236 = arith.muli %add3A_140, %mul3A_235 : i32
        %dma_start3A_237 = tpu.memref_slice %arg7[%mul3A_236] : memref<5120xi32, #tpu.memory_space<vmem>> -> memref<32xi32, #tpu.memory_space<vmem>>
        %dma_start3A_238 = arith.constant 0 : i32
        %dma_start3A_239 = arith.constant 0 : i32
        %dma_start3A_240 = tpu.memref_slice %arg8[%dma_start3A_238, %dma_start3A_239] : memref<10000x128xf32, #tpu.memory_space<vmem_shared>> -> memref<10000x128xf32, #tpu.memory_space<vmem_shared>>
        tpu.enqueue_indirect_dma source(%dma_start3A_240 : memref<10000x128xf32, #tpu.memory_space<vmem_shared>>) target(%arg12 : memref<32x128xf32, #tpu.memory_space<vmem>>) offsets(%dma_start3A_237 : memref<32xi32, #tpu.memory_space<vmem>>) semaphore(%arg21 : memref<!tpu.dma_semaphore, #tpu.memory_space<semaphore_mem>>)
      } else {
      }
      %dma_wait3A_146 = arith.constant 0 : i32
      %dma_wait3A_147 = tpu.memref_slice %arg6[%dma_wait3A_146] : memref<5120xi32, #tpu.memory_space<vmem>> -> memref<32xi32, #tpu.memory_space<vmem>>
      %dma_wait3A_148 = arith.constant 0 : i32
      %dma_wait3A_149 = arith.constant 0 : i32
      %dma_wait3A_150 = tpu.memref_slice %arg8[%dma_wait3A_148, %dma_wait3A_149] : memref<10000x128xf32, #tpu.memory_space<vmem_shared>> -> memref<10000x128xf32, #tpu.memory_space<vmem_shared>>
      tpu.wait_indirect_dma semaphore(%arg22 : memref<!tpu.dma_semaphore, #tpu.memory_space<semaphore_mem>>) src(%dma_wait3A_150 : memref<10000x128xf32, #tpu.memory_space<vmem_shared>>) dst(%arg13 : memref<32x128xf32, #tpu.memory_space<vmem>>)
      %dma_wait3A_151 = arith.constant 0 : i32
      %dma_wait3A_152 = tpu.memref_slice %arg7[%dma_wait3A_151] : memref<5120xi32, #tpu.memory_space<vmem>> -> memref<32xi32, #tpu.memory_space<vmem>>
      %dma_wait3A_153 = arith.constant 0 : i32
      %dma_wait3A_154 = arith.constant 0 : i32
      %dma_wait3A_155 = tpu.memref_slice %arg8[%dma_wait3A_153, %dma_wait3A_154] : memref<10000x128xf32, #tpu.memory_space<vmem_shared>> -> memref<10000x128xf32, #tpu.memory_space<vmem_shared>>
      tpu.wait_indirect_dma semaphore(%arg23 : memref<!tpu.dma_semaphore, #tpu.memory_space<semaphore_mem>>) src(%dma_wait3A_155 : memref<10000x128xf32, #tpu.memory_space<vmem_shared>>) dst(%arg14 : memref<32x128xf32, #tpu.memory_space<vmem>>)
      %broadcast_in_dim3A_156 = arith.constant 0.000000e+00 : f32
      %broadcast_in_dim3A_157 = vector.broadcast %broadcast_in_dim3A_156 : f32 to vector<16xf32>
      %broadcast_in_dim3A_158 = arith.constant 0.000000e+00 : f32
      %broadcast_in_dim3A_159 = vector.broadcast %broadcast_in_dim3A_158 : f32 to vector<16xf32>
      %broadcast_in_dim3A_160 = arith.constant 0.000000e+00 : f32
      %broadcast_in_dim3A_161 = vector.broadcast %broadcast_in_dim3A_160 : f32 to vector<16xf32>
      %broadcast_in_dim3A_162 = arith.constant 0.000000e+00 : f32
      %broadcast_in_dim3A_163 = vector.broadcast %broadcast_in_dim3A_162 : f32 to vector<16xf32>
      %parallel_loop3A_164 = arith.constant 0 : i32
      %parallel_loop3A_165 = arith.constant 128 : i32
      %parallel_loop3A_166 = arith.constant 1 : i32
      %parallel_loop3A_167:4 = scf.for %parallel_loop3A_229 = %parallel_loop3A_164 to %parallel_loop3A_165 step %parallel_loop3A_166 iter_args(%parallel_loop3A_230 = %broadcast_in_dim3A_157, %parallel_loop3A_231 = %broadcast_in_dim3A_159, %parallel_loop3A_232 = %broadcast_in_dim3A_161, %parallel_loop3A_233 = %broadcast_in_dim3A_163) -> (vector<16xf32>, vector<16xf32>, vector<16xf32>, vector<16xf32>)  : i32 {
        %parallel_loop3A_234 = vector.broadcast %parallel_loop3A_229 : i32 to vector<16xi32>
        %parallel_loop3A_235 = arith.addi %parallel_loop3A_234, %iota3A : vector<16xi32>
        %parallel_loop3A_236 = arith.constant 127 : i32
        %parallel_loop3A_237 = vector.broadcast %parallel_loop3A_236 : i32 to vector<16xi32>
        %parallel_loop3A_238 = arith.andi %parallel_loop3A_235, %parallel_loop3A_237 : vector<16xi32>
        %parallel_loop3A_239 = tpu.vector_load_idx %arg13[%add3A_9, %parallel_loop3A_238] : memref<32x128xf32, #tpu.memory_space<vmem>>[vector<16xi32>, vector<16xi32>], vector<16xf32>,
        %parallel_loop3A_240 = tpu.vector_load_idx %arg14[%add3A_9, %parallel_loop3A_238] : memref<32x128xf32, #tpu.memory_space<vmem>>[vector<16xi32>, vector<16xi32>], vector<16xf32>,
        %parallel_loop3A_241 = vector.bitcast %parallel_loop3A_239 : vector<16xf32> to vector<32xbf16>
        %parallel_loop3A_242 = tpu.unpack_subelements %parallel_loop3A_241, 0 {pack_format = #tpu.pack_format<interleaved>} : vector<32xbf16> -> vector<16xf32>
        %parallel_loop3A_243 = tpu.unpack_subelements %parallel_loop3A_241, 1 {pack_format = #tpu.pack_format<interleaved>} : vector<32xbf16> -> vector<16xf32>
        %parallel_loop3A_244 = vector.bitcast %parallel_loop3A_240 : vector<16xf32> to vector<32xbf16>
        %parallel_loop3A_245 = tpu.unpack_subelements %parallel_loop3A_244, 0 {pack_format = #tpu.pack_format<interleaved>} : vector<32xbf16> -> vector<16xf32>
        %parallel_loop3A_246 = tpu.unpack_subelements %parallel_loop3A_244, 1 {pack_format = #tpu.pack_format<interleaved>} : vector<32xbf16> -> vector<16xf32>
        %parallel_loop3A_247 = arith.mulf %parallel_loop3A_242, %parallel_loop3A_245 : vector<16xf32>
        %parallel_loop3A_248 = arith.addf %parallel_loop3A_230, %parallel_loop3A_247 : vector<16xf32>
        %parallel_loop3A_249 = arith.mulf %parallel_loop3A_243, %parallel_loop3A_246 : vector<16xf32>
        %parallel_loop3A_250 = arith.addf %parallel_loop3A_231, %parallel_loop3A_249 : vector<16xf32>
        %parallel_loop3A_251 = tpu.vector_load_idx %arg13[%add3A_12, %parallel_loop3A_238] : memref<32x128xf32, #tpu.memory_space<vmem>>[vector<16xi32>, vector<16xi32>], vector<16xf32>,
        %parallel_loop3A_252 = tpu.vector_load_idx %arg14[%add3A_12, %parallel_loop3A_238] : memref<32x128xf32, #tpu.memory_space<vmem>>[vector<16xi32>, vector<16xi32>], vector<16xf32>,
        %parallel_loop3A_253 = vector.bitcast %parallel_loop3A_251 : vector<16xf32> to vector<32xbf16>
        %parallel_loop3A_254 = tpu.unpack_subelements %parallel_loop3A_253, 0 {pack_format = #tpu.pack_format<interleaved>} : vector<32xbf16> -> vector<16xf32>
        %parallel_loop3A_255 = tpu.unpack_subelements %parallel_loop3A_253, 1 {pack_format = #tpu.pack_format<interleaved>} : vector<32xbf16> -> vector<16xf32>
        %parallel_loop3A_256 = vector.bitcast %parallel_loop3A_252 : vector<16xf32> to vector<32xbf16>
        %parallel_loop3A_257 = tpu.unpack_subelements %parallel_loop3A_256, 0 {pack_format = #tpu.pack_format<interleaved>} : vector<32xbf16> -> vector<16xf32>
        %parallel_loop3A_258 = tpu.unpack_subelements %parallel_loop3A_256, 1 {pack_format = #tpu.pack_format<interleaved>} : vector<32xbf16> -> vector<16xf32>
        %parallel_loop3A_259 = arith.mulf %parallel_loop3A_254, %parallel_loop3A_257 : vector<16xf32>
        %parallel_loop3A_260 = arith.addf %parallel_loop3A_232, %parallel_loop3A_259 : vector<16xf32>
        %parallel_loop3A_261 = arith.mulf %parallel_loop3A_255, %parallel_loop3A_258 : vector<16xf32>
        %parallel_loop3A_262 = arith.addf %parallel_loop3A_233, %parallel_loop3A_261 : vector<16xf32>
        scf.yield %parallel_loop3A_248, %parallel_loop3A_250, %parallel_loop3A_260, %parallel_loop3A_262 : vector<16xf32>, vector<16xf32>, vector<16xf32>, vector<16xf32>
      } {sc.loop_unroll_factor = 4 : i64, sc.parallel_access}
      %add3A_168 = arith.addf %parallel_loop3A_167#0, %parallel_loop3A_167#1 : vector<16xf32>
      %mul3A_169 = arith.constant 32 : i32
      %mul3A_170 = arith.muli %add3A_138, %mul3A_169 : i32
      %add3A_171 = arith.constant 0 : i32
      %add3A_172 = arith.addi %mul3A_170, %add3A_171 : i32
      %swap3A_173 = arith.index_cast %add3A_172 : i32 to index
      %swap3A_174 = tpu.vector_load %arg17[%swap3A_173] {strides = array<i32>} : memref<5120xf32, #tpu.memory_space<vmem>>, vector<16xf32>,
      tpu.vector_store %arg17[%swap3A_173], %add3A_168 {strides = array<i32>} : memref<5120xf32, #tpu.memory_space<vmem>>, vector<16xf32>,
      %add3A_175 = arith.addf %parallel_loop3A_167#2, %parallel_loop3A_167#3 : vector<16xf32>
      %mul3A_176 = arith.constant 32 : i32
      %mul3A_177 = arith.muli %add3A_138, %mul3A_176 : i32
      %add3A_178 = arith.constant 16 : i32
      %add3A_179 = arith.addi %mul3A_177, %add3A_178 : i32
      %swap3A_180 = arith.index_cast %add3A_179 : i32 to index
      %swap3A_181 = tpu.vector_load %arg17[%swap3A_180] {strides = array<i32>} : memref<5120xf32, #tpu.memory_space<vmem>>, vector<16xf32>,
      tpu.vector_store %arg17[%swap3A_180], %add3A_175 {strides = array<i32>} : memref<5120xf32, #tpu.memory_space<vmem>>, vector<16xf32>,
      %mul3A_182 = arith.constant 4 : i32
      %mul3A_183 = arith.muli %mul3A_182, %scan3A_47 : i32
      %add3A_184 = arith.constant 3 : i32
      %add3A_185 = arith.addi %mul3A_183, %add3A_184 : i32
      %add3A_186 = arith.constant 3 : i32
      %add3A_187 = arith.addi %add3A_185, %add3A_186 : i32
      %lt3A_188 = arith.constant 160 : i32
      %lt3A_189 = arith.cmpi slt, %add3A_187, %lt3A_188 : i32
      %convert_element_type3A_190 = arith.extui %lt3A_189 : i1 to i32
      %cond3A_191 = arith.constant 0 : i32
      %cond3A_192 = arith.cmpi ne, %convert_element_type3A_190, %cond3A_191 : i32
      scf.if %cond3A_192 {
        %mul3A_229 = arith.constant 32 : i32
        %mul3A_230 = arith.muli %add3A_187, %mul3A_229 : i32
        %dma_start3A_231 = tpu.memref_slice %arg6[%mul3A_230] : memref<5120xi32, #tpu.memory_space<vmem>> -> memref<32xi32, #tpu.memory_space<vmem>>
        %dma_start3A_232 = arith.constant 0 : i32
        %dma_start3A_233 = arith.constant 0 : i32
        %dma_start3A_234 = tpu.memref_slice %arg8[%dma_start3A_232, %dma_start3A_233] : memref<10000x128xf32, #tpu.memory_space<vmem_shared>> -> memref<10000x128xf32, #tpu.memory_space<vmem_shared>>
        tpu.enqueue_indirect_dma source(%dma_start3A_234 : memref<10000x128xf32, #tpu.memory_space<vmem_shared>>) target(%arg13 : memref<32x128xf32, #tpu.memory_space<vmem>>) offsets(%dma_start3A_231 : memref<32xi32, #tpu.memory_space<vmem>>) semaphore(%arg22 : memref<!tpu.dma_semaphore, #tpu.memory_space<semaphore_mem>>)
        %mul3A_235 = arith.constant 32 : i32
        %mul3A_236 = arith.muli %add3A_187, %mul3A_235 : i32
        %dma_start3A_237 = tpu.memref_slice %arg7[%mul3A_236] : memref<5120xi32, #tpu.memory_space<vmem>> -> memref<32xi32, #tpu.memory_space<vmem>>
        %dma_start3A_238 = arith.constant 0 : i32
        %dma_start3A_239 = arith.constant 0 : i32
        %dma_start3A_240 = tpu.memref_slice %arg8[%dma_start3A_238, %dma_start3A_239] : memref<10000x128xf32, #tpu.memory_space<vmem_shared>> -> memref<10000x128xf32, #tpu.memory_space<vmem_shared>>
        tpu.enqueue_indirect_dma source(%dma_start3A_240 : memref<10000x128xf32, #tpu.memory_space<vmem_shared>>) target(%arg14 : memref<32x128xf32, #tpu.memory_space<vmem>>) offsets(%dma_start3A_237 : memref<32xi32, #tpu.memory_space<vmem>>) semaphore(%arg23 : memref<!tpu.dma_semaphore, #tpu.memory_space<semaphore_mem>>)
      } else {
      }
      %dma_wait3A_193 = arith.constant 0 : i32
      %dma_wait3A_194 = tpu.memref_slice %arg6[%dma_wait3A_193] : memref<5120xi32, #tpu.memory_space<vmem>> -> memref<32xi32, #tpu.memory_space<vmem>>
      %dma_wait3A_195 = arith.constant 0 : i32
      %dma_wait3A_196 = arith.constant 0 : i32
      %dma_wait3A_197 = tpu.memref_slice %arg8[%dma_wait3A_195, %dma_wait3A_196] : memref<10000x128xf32, #tpu.memory_space<vmem_shared>> -> memref<10000x128xf32, #tpu.memory_space<vmem_shared>>
      tpu.wait_indirect_dma semaphore(%arg24 : memref<!tpu.dma_semaphore, #tpu.memory_space<semaphore_mem>>) src(%dma_wait3A_197 : memref<10000x128xf32, #tpu.memory_space<vmem_shared>>) dst(%arg15 : memref<32x128xf32, #tpu.memory_space<vmem>>)
      %dma_wait3A_198 = arith.constant 0 : i32
      %dma_wait3A_199 = tpu.memref_slice %arg7[%dma_wait3A_198] : memref<5120xi32, #tpu.memory_space<vmem>> -> memref<32xi32, #tpu.memory_space<vmem>>
      %dma_wait3A_200 = arith.constant 0 : i32
      %dma_wait3A_201 = arith.constant 0 : i32
      %dma_wait3A_202 = tpu.memref_slice %arg8[%dma_wait3A_200, %dma_wait3A_201] : memref<10000x128xf32, #tpu.memory_space<vmem_shared>> -> memref<10000x128xf32, #tpu.memory_space<vmem_shared>>
      tpu.wait_indirect_dma semaphore(%arg25 : memref<!tpu.dma_semaphore, #tpu.memory_space<semaphore_mem>>) src(%dma_wait3A_202 : memref<10000x128xf32, #tpu.memory_space<vmem_shared>>) dst(%arg16 : memref<32x128xf32, #tpu.memory_space<vmem>>)
      %broadcast_in_dim3A_203 = arith.constant 0.000000e+00 : f32
      %broadcast_in_dim3A_204 = vector.broadcast %broadcast_in_dim3A_203 : f32 to vector<16xf32>
      %broadcast_in_dim3A_205 = arith.constant 0.000000e+00 : f32
      %broadcast_in_dim3A_206 = vector.broadcast %broadcast_in_dim3A_205 : f32 to vector<16xf32>
      %broadcast_in_dim3A_207 = arith.constant 0.000000e+00 : f32
      %broadcast_in_dim3A_208 = vector.broadcast %broadcast_in_dim3A_207 : f32 to vector<16xf32>
      %broadcast_in_dim3A_209 = arith.constant 0.000000e+00 : f32
      %broadcast_in_dim3A_210 = vector.broadcast %broadcast_in_dim3A_209 : f32 to vector<16xf32>
      %parallel_loop3A_211 = arith.constant 0 : i32
      %parallel_loop3A_212 = arith.constant 128 : i32
      %parallel_loop3A_213 = arith.constant 1 : i32
      %parallel_loop3A_214:4 = scf.for %parallel_loop3A_229 = %parallel_loop3A_211 to %parallel_loop3A_212 step %parallel_loop3A_213 iter_args(%parallel_loop3A_230 = %broadcast_in_dim3A_204, %parallel_loop3A_231 = %broadcast_in_dim3A_206, %parallel_loop3A_232 = %broadcast_in_dim3A_208, %parallel_loop3A_233 = %broadcast_in_dim3A_210) -> (vector<16xf32>, vector<16xf32>, vector<16xf32>, vector<16xf32>)  : i32 {
        %parallel_loop3A_234 = vector.broadcast %parallel_loop3A_229 : i32 to vector<16xi32>
        %parallel_loop3A_235 = arith.addi %parallel_loop3A_234, %iota3A : vector<16xi32>
        %parallel_loop3A_236 = arith.constant 127 : i32
        %parallel_loop3A_237 = vector.broadcast %parallel_loop3A_236 : i32 to vector<16xi32>
        %parallel_loop3A_238 = arith.andi %parallel_loop3A_235, %parallel_loop3A_237 : vector<16xi32>
        %parallel_loop3A_239 = tpu.vector_load_idx %arg15[%add3A_9, %parallel_loop3A_238] : memref<32x128xf32, #tpu.memory_space<vmem>>[vector<16xi32>, vector<16xi32>], vector<16xf32>,
        %parallel_loop3A_240 = tpu.vector_load_idx %arg16[%add3A_9, %parallel_loop3A_238] : memref<32x128xf32, #tpu.memory_space<vmem>>[vector<16xi32>, vector<16xi32>], vector<16xf32>,
        %parallel_loop3A_241 = vector.bitcast %parallel_loop3A_239 : vector<16xf32> to vector<32xbf16>
        %parallel_loop3A_242 = tpu.unpack_subelements %parallel_loop3A_241, 0 {pack_format = #tpu.pack_format<interleaved>} : vector<32xbf16> -> vector<16xf32>
        %parallel_loop3A_243 = tpu.unpack_subelements %parallel_loop3A_241, 1 {pack_format = #tpu.pack_format<interleaved>} : vector<32xbf16> -> vector<16xf32>
        %parallel_loop3A_244 = vector.bitcast %parallel_loop3A_240 : vector<16xf32> to vector<32xbf16>
        %parallel_loop3A_245 = tpu.unpack_subelements %parallel_loop3A_244, 0 {pack_format = #tpu.pack_format<interleaved>} : vector<32xbf16> -> vector<16xf32>
        %parallel_loop3A_246 = tpu.unpack_subelements %parallel_loop3A_244, 1 {pack_format = #tpu.pack_format<interleaved>} : vector<32xbf16> -> vector<16xf32>
        %parallel_loop3A_247 = arith.mulf %parallel_loop3A_242, %parallel_loop3A_245 : vector<16xf32>
        %parallel_loop3A_248 = arith.addf %parallel_loop3A_230, %parallel_loop3A_247 : vector<16xf32>
        %parallel_loop3A_249 = arith.mulf %parallel_loop3A_243, %parallel_loop3A_246 : vector<16xf32>
        %parallel_loop3A_250 = arith.addf %parallel_loop3A_231, %parallel_loop3A_249 : vector<16xf32>
        %parallel_loop3A_251 = tpu.vector_load_idx %arg15[%add3A_12, %parallel_loop3A_238] : memref<32x128xf32, #tpu.memory_space<vmem>>[vector<16xi32>, vector<16xi32>], vector<16xf32>,
        %parallel_loop3A_252 = tpu.vector_load_idx %arg16[%add3A_12, %parallel_loop3A_238] : memref<32x128xf32, #tpu.memory_space<vmem>>[vector<16xi32>, vector<16xi32>], vector<16xf32>,
        %parallel_loop3A_253 = vector.bitcast %parallel_loop3A_251 : vector<16xf32> to vector<32xbf16>
        %parallel_loop3A_254 = tpu.unpack_subelements %parallel_loop3A_253, 0 {pack_format = #tpu.pack_format<interleaved>} : vector<32xbf16> -> vector<16xf32>
        %parallel_loop3A_255 = tpu.unpack_subelements %parallel_loop3A_253, 1 {pack_format = #tpu.pack_format<interleaved>} : vector<32xbf16> -> vector<16xf32>
        %parallel_loop3A_256 = vector.bitcast %parallel_loop3A_252 : vector<16xf32> to vector<32xbf16>
        %parallel_loop3A_257 = tpu.unpack_subelements %parallel_loop3A_256, 0 {pack_format = #tpu.pack_format<interleaved>} : vector<32xbf16> -> vector<16xf32>
        %parallel_loop3A_258 = tpu.unpack_subelements %parallel_loop3A_256, 1 {pack_format = #tpu.pack_format<interleaved>} : vector<32xbf16> -> vector<16xf32>
        %parallel_loop3A_259 = arith.mulf %parallel_loop3A_254, %parallel_loop3A_257 : vector<16xf32>
        %parallel_loop3A_260 = arith.addf %parallel_loop3A_232, %parallel_loop3A_259 : vector<16xf32>
        %parallel_loop3A_261 = arith.mulf %parallel_loop3A_255, %parallel_loop3A_258 : vector<16xf32>
        %parallel_loop3A_262 = arith.addf %parallel_loop3A_233, %parallel_loop3A_261 : vector<16xf32>
        scf.yield %parallel_loop3A_248, %parallel_loop3A_250, %parallel_loop3A_260, %parallel_loop3A_262 : vector<16xf32>, vector<16xf32>, vector<16xf32>, vector<16xf32>
      } {sc.loop_unroll_factor = 4 : i64, sc.parallel_access}
      %add3A_215 = arith.addf %parallel_loop3A_214#0, %parallel_loop3A_214#1 : vector<16xf32>
      %mul3A_216 = arith.constant 32 : i32
      %mul3A_217 = arith.muli %add3A_185, %mul3A_216 : i32
      %add3A_218 = arith.constant 0 : i32
      %add3A_219 = arith.addi %mul3A_217, %add3A_218 : i32
      %swap3A_220 = arith.index_cast %add3A_219 : i32 to index
      %swap3A_221 = tpu.vector_load %arg17[%swap3A_220] {strides = array<i32>} : memref<5120xf32, #tpu.memory_space<vmem>>, vector<16xf32>,
      tpu.vector_store %arg17[%swap3A_220], %add3A_215 {strides = array<i32>} : memref<5120xf32, #tpu.memory_space<vmem>>, vector<16xf32>,
      %add3A_222 = arith.addf %parallel_loop3A_214#2, %parallel_loop3A_214#3 : vector<16xf32>
      %mul3A_223 = arith.constant 32 : i32
      %mul3A_224 = arith.muli %add3A_185, %mul3A_223 : i32
      %add3A_225 = arith.constant 16 : i32
      %add3A_226 = arith.addi %mul3A_224, %add3A_225 : i32
      %swap3A_227 = arith.index_cast %add3A_226 : i32 to index
      %swap3A_228 = tpu.vector_load %arg17[%swap3A_227] {strides = array<i32>} : memref<5120xf32, #tpu.memory_space<vmem>>, vector<16xf32>,
      tpu.vector_store %arg17[%swap3A_227], %add3A_222 {strides = array<i32>} : memref<5120xf32, #tpu.memory_space<vmem>>, vector<16xf32>,
    }
    %scan3A_46 = arith.constant 40 : i32
    "tpu.region"() ({
      %run_scoped3A = tpu.sem_alloc : memref<!tpu.dma_semaphore, #tpu.memory_space<semaphore_mem>>
      %dma_start3A_47 = tpu.memref_slice %arg5[%mul3A_2] : memref<163840xf32, #tpu.memory_space<hbm>> -> memref<5120xf32, #tpu.memory_space<hbm>>
      %dma_start3A_48 = tpu.memref_slice %arg5[%mul3A_2] : memref<163840xf32, #tpu.memory_space<hbm>> -> memref<5120xf32, #tpu.memory_space<hbm>>
      tpu.enqueue_dma source(%arg17 : memref<5120xf32, #tpu.memory_space<vmem>>) target(%dma_start3A_48 : memref<5120xf32, #tpu.memory_space<hbm>>) target_semaphore(%run_scoped3A : memref<!tpu.dma_semaphore, #tpu.memory_space<semaphore_mem>>)
      %dma_wait3A = tpu.memref_slice %arg5[%mul3A_2] : memref<163840xf32, #tpu.memory_space<hbm>> -> memref<5120xf32, #tpu.memory_space<hbm>>
      %dma_wait3A_49 = tpu.memref_slice %arg5[%mul3A_2] : memref<163840xf32, #tpu.memory_space<hbm>> -> memref<5120xf32, #tpu.memory_space<hbm>>
      tpu.wait_dma2 semaphore(%run_scoped3A : memref<!tpu.dma_semaphore, #tpu.memory_space<semaphore_mem>>) src(%arg17 : memref<5120xf32, #tpu.memory_space<vmem>>) dst(%dma_wait3A_49 : memref<5120xf32, #tpu.memory_space<hbm>>)
      tpu.yield
    }) : () -> ()
    return
  }
}

</mosaic_0001>

<sc_bundles>
// kernel: kernel.3.cloned.1.call-start
scs
__scs_entry_jumppad:
0x0: {  	(pc) =	sbr.rel $0x88, $3  }
0x1: {  	(tag) =	ssettag $0x0;
	lr =	simm.s32 $0x1  }
0x2: {  	[smem:$0x3F9F] =	sst lr;
	_ =	strace $0xD0000000  }
0x3: {  	_ = 	snop  }
0x4: {  	_ = 	snop  }
0x5: {  	_ = 	snop  }
0x6: {  	_ = 	snop  }
0x7: {  	_ = 	snop  }
__scs_overlays_trampoline_lowered:
0x8: {  	[smem:$0x3FAE] =	sst s0  }
0x9: {  	[smem:$0x3FAF] =	sst s1  }
0xa: {  	[smem:$0x3FB0] =	sst s2  }
0xb: {  	[smem:$0x3FB1] =	sst s3  }
0xc: {  	[smem:$0x3FB2] =	sst s4  }
0xd: {  	[smem:$0x3FB3] =	sst s5  }
0xe: {  	[smem:$0x3FB4] =	sst s6  }
0xf: {  	[smem:$0x3FB5] =	sst s7  }
0x10: {  	[smem:$0x3FB6] =	sst s8  }
0x11: {  	[smem:$0x3FB7] =	sst s9;
	s0 =	simm.s32 @!p0 $0x0  }
0x12: {  	s1 =	sld [smem:$0x3F9D];
	s0 =	simm.s32 @p0 $0x1  }
0x13: {  	[smem:$0x3FB8] =	sst s0;
	s0 =	simm.s32 @!p1 $0x0  }
0x14: {  	s2 =	sld [smem:$0x3F9C];
	s0 =	simm.s32 @p1 $0x1  }
0x15: {  	[smem:$0x3FB9] =	sst s0;
	s0 =	simm.s32 @!p2 $0x0  }
0x16: {  	s3 =	sld [smem:$0x3FDB];
	s0 =	simm.s32 @p2 $0x1  }
0x17: {  	s4 =	simm.s32 $0x1BF5;
	[smem:$0x3FBB] =	sst s0  }
0x18: {  	s0 =	sld [smem:$0x3F9E];
	_ =	swait.ge [sflag:s4], $0x0  }
0x19: {  	s7 =	sld [smem:$0x3F9F]  }
0x1a: {  	s8 =	sadd.s32 $0xFFFFE003, lr  }
0x1b: {  	s9 =	sadd.s32 $0xFFFFFEF7, lr;
	s5 =	simm.s32 $0xFFFFFFFF;
	p2 =	slt.u32 s8, $0xFFFFF086  }
0x1c: {  	p1 =	slt.u32 s9, $0xF7A;
	s5 =	simm.s32 @!p2 $0x0  }
0x1d: {  	s5 =	simm.s32 @p1 $0x1;
	p0 =	seq.s32 s7, s2  }
0x1e: {  	s7 =	smul.u32 @!p0 $0xF7A, s2;
	p2 =	seq.s32 @!p0 s5, $0x0  }
0x1f: {  	s9 =	smul.u32 $0xF7A, s1;
	s8 =	simm.s32 @!p0 $0x1BF5;
	p2 =	por !p2, p0  }
0x20: {  	[sflag:s8] =	ssyncset.s32 @!p0 $0xFFFFF086;
	s6 =	sadd.s32 @!p0 s3, s7;
	s7 =	simm.s32 @!p0 $0x108  }
0x21: {  	s3 =	sadd.s32 s3, s9;
	s6 =	sadd.s32 @!p0 $0x88, s6;
	s7 =	simm.s32 @p2 $0x1082  }
0x22: {  	[simem:s7], [sflag:s8] =	dma.local @!p0 [hbm:s6], $0xF7A  }
0x23: {  	s9 =	sor.u32 $0xD0000000, s2;
	s6 =	simm.s32 $0x108;
	_ =	swait.ge @!p0 [sflag:s8], $0x0  }
0x24: {  	s3 =	sadd.s32 $0x88, s3;
	s6 =	simm.s32 @!p1 $0x1082;
	[sflag:s4] =	ssyncset.s32 $0xFFFFF086  }
0x25: {  	[simem:s6], [sflag:s4] =	dma.local [hbm:s3], $0xF7A  }
0x26: {  	[smem:$0x3F9F] =	sst s1;
	(tag) =	ssettag s2;
	_ =	strace s9  }
0x27: {  	s1 =	sld [smem:$0x3FAF]  }
0x28: {  	s2 =	sld [smem:$0x3FB0]  }
0x29: {  	s4 =	sld [smem:$0x3FB2]  }
0x2a: {  	p0 =	seq.s32 s5, $0x0;
	s5 =	sld [smem:$0x3FB3]  }
0x2b: {  	s6 =	sld [smem:$0x3FB4]  }
0x2c: {  	s7 =	sld [smem:$0x3FB5]  }
0x2d: {  	s3 =	simm.s32 $0x108;
	s8 =	sld [smem:$0x3FB6]  }
0x2e: {  	s3 =	simm.s32 @!p0 $0x1082;
	s9 =	sld [smem:$0x3FB7]  }
0x2f: {  	lr =	sadd.s32 s0, s3;
	s0 =	sld [smem:$0x3FAE]  }
0x30: {  	s3 =	sld [smem:$0x3FB1]  }
0x31: {  	[smem:$0x3FBA] =	sst s10  }
0x32: {  	s10 =	sld [smem:$0x3FB8];
	_ =	sdelay $0x3  }
0x33: {  	p0 =	seq.s32 s10, $0x1;
	s10 =	sld [smem:$0x3FBA];
	_ =	sdelay $0x3  }
0x34: {  	[smem:$0x3FBA] =	sst s10  }
0x35: {  	s10 =	sld [smem:$0x3FB9];
	_ =	sdelay $0x3  }
0x36: {  	p1 =	seq.s32 s10, $0x1;
	s10 =	sld [smem:$0x3FBA];
	_ =	sdelay $0x3  }
0x37: {  	[smem:$0x3FBA] =	sst s10  }
0x38: {  	s10 =	sld [smem:$0x3FBB]  }
0x39: {  	_ = 	snop;
	(pc) =	sbr.ind lr, $3  }
0x3a: {  	_ = 	snop  }
0x3b: {  	_ = 	snop  }
0x3c: {  	p2 =	seq.s32 s10, $0x1;
	s10 =	sld [smem:$0x3FBA]  }
0x3d: {  	_ =	shalt  }
0x3e: {  	_ =	shalt  }
0x3f: {  	_ =	shalt  }
0x40: {  	_ =	shalt  }
0x41: {  	_ =	shalt  }
0x42: {  	_ =	shalt  }
0x43: {  	_ =	shalt  }
0x44: {  	_ =	shalt  }
0x45: {  	_ =	shalt  }
0x46: {  	_ =	shalt  }
0x47: {  	_ =	shalt  }
0x48: {  	_ =	shalt  }
0x49: {  	_ =	shalt  }
0x4a: {  	_ =	shalt  }
0x4b: {  	_ =	shalt  }
0x4c: {  	_ =	shalt  }
0x4d: {  	_ =	shalt  }
0x4e: {  	_ =	shalt  }
0x4f: {  	_ =	shalt  }
0x50: {  	_ =	shalt  }
0x51: {  	_ =	shalt  }
0x52: {  	_ =	shalt  }
0x53: {  	_ =	shalt  }
0x54: {  	_ =	shalt  }
0x55: {  	_ =	shalt  }
0x56: {  	_ =	shalt  }
0x57: {  	_ =	shalt  }
0x58: {  	_ =	shalt  }
0x59: {  	_ =	shalt  }
0x5a: {  	_ =	shalt  }
0x5b: {  	_ =	shalt  }
0x5c: {  	_ =	shalt  }
0x5d: {  	_ =	shalt  }
0x5e: {  	_ =	shalt  }
0x5f: {  	_ =	shalt  }
0x60: {  	_ =	shalt  }
0x61: {  	_ =	shalt  }
0x62: {  	_ =	shalt  }
0x63: {  	_ =	shalt  }
0x64: {  	_ =	shalt  }
0x65: {  	_ =	shalt  }
0x66: {  	_ =	shalt  }
0x67: {  	_ =	shalt  }
0x68: {  	_ =	shalt  }
0x69: {  	_ =	shalt  }
0x6a: {  	_ =	shalt  }
0x6b: {  	_ =	shalt  }
0x6c: {  	_ =	shalt  }
0x6d: {  	_ =	shalt  }
0x6e: {  	_ =	shalt  }
0x6f: {  	_ =	shalt  }
0x70: {  	_ =	shalt  }
0x71: {  	_ =	shalt  }
0x72: {  	_ =	shalt  }
0x73: {  	_ =	shalt  }
0x74: {  	_ =	shalt  }
0x75: {  	_ =	shalt  }
0x76: {  	_ =	shalt  }
0x77: {  	_ =	shalt  }
0x78: {  	_ =	shalt  }
0x79: {  	_ =	shalt  }
0x7a: {  	_ =	shalt  }
0x7b: {  	_ =	shalt  }
0x7c: {  	_ =	shalt  }
0x7d: {  	_ =	shalt  }
0x7e: {  	_ =	shalt  }
0x7f: {  	_ =	shalt  }
0x80: {  	_ =	shalt  }
0x81: {  	_ =	shalt  }
0x82: {  	_ =	shalt  }
0x83: {  	_ =	shalt  }
0x84: {  	_ =	shalt  }
0x85: {  	_ =	shalt  }
0x86: {  	_ =	shalt  }
0x87: {  	_ =	shalt  }
.Lfunc_end0:
.L_simem_size_0:
called_computation_lowered:
.L_overlay_start_0:
0x88: {  	s2 =	sld [smem:$0x3FD9]  }
0x89: {  	s3 =	sld [smem:$0x3FFE];
	_ =	sdelay $0x1  }
0x8a: {  	s1 =	srdreg.scid  }
0x8b: {  	s0 =	sand.u32 $0x1, s1  }
0x8c: {  	s16 =	sshll.u32 s0, $0xA;
	s2 =	sadd.s32 s3, s2  }
0x8d: {  	s2 =	sadd.s32 s2, s16  }
0x8e: {  	[smem:$0x3FC6] =	sst s2  }
0x8f: {  	_ = 	snop  }
0x90: {  	(tm) =	ssettm $0x1  }
0x91: {  	s17 =	sld [smem:$0x3FFB];
	_ =	sdelay $0x3  }
0x92: {  	_ =	strace s17  }
0x93: {  	s2 =	sld [smem:$0x3FFC];
	_ =	sdelay $0x3  }
0x94: {  	_ =	strace s2  }
0x95: {  	s2 =	sld [smem:$0x3FFD];
	_ =	sdelay $0x3  }
0x96: {  	_ =	strace s2  }
0x97: {  	_ =	strace $0x8FFFFFFF  }
0x98: {  	s18 =	sld [smem:$0x3FDB];
	_ =	sdelay $0x1  }
0x99: {  	s19 =	simm.s32 $_scs_section_size  }
0x9a: {  	s4 =	simm.s32 $_size__tile_overlayer_lowered;
	s5 =	simm.s32 $_tile_overlayer_lowered  }
0x9b: {  	s22 =	simm.s32 $0x1BFF;
	s21 =	sshll.u32 s5, $0x1;
	s2 =	sadd.s32 s19, s18  }
0x9c: {  	s6 =	simm.s32 $0x0;
	s20 =	sshll.u32 s4, $0x1;
	s4 =	sadd.s32 s21, s2  }
0x9d: {  	[timem:s6], [sflag:s22] =	dma.local [hbm:s4], s20  }
0x9e: {  	_ =	swait.ge [sflag:s22], s20  }
0x9f: {  	s3 =	ssub.s32 $0x0, s20;
	[sflag:s22] =	ssyncset.done $0x0  }
0xa0: {  	[sflag:s22] =	ssyncadd.s32 s3;
	_ =	sdelay $0x1  }
0xa1: {  	s23 =	simm.s32 $0x1B8B  }
0xa2: {  	_ =	swait.ge [sflag:s23], $0x1  }
0xa3: {  	[sflag:s23] =	ssyncset.done $0x0  }
0xa4: {  	s25 =	simm.s32 $0x1B8E;
	s24 =	sld [smem:$0x3FFE];
	[sflag:s23] =	ssyncadd.s32 $0xFFFFFFFF  }
0xa5: {  	s26 =	simm.s32 $execute0_lowered;
	[smem:$0x3FD2] =	sst s25  }
0xa6: {  	s4 =	sshll.u32 s26, $0x1;
	_ =	strace $0x80000046;
	[dreg:$0x1] =	wrdreg $0xFFFFFFFF  }
0xa7: {  	s28 =	simm.s32 $_size_execute0_lowered;
	s2 =	sadd.s32 s2, s4;
	[dreg:$0x0] =	wrdreg $0x0  }
0xa8: {  	s4 =	sshll.u32 s28, $0x1;
	[dreg:$0x2] =	wrdreg s2  }
0xa9: {  	[dreg:$0x3] =	wrdreg s4  }
0xaa: {  	[dreg:$0x4] =	wrdreg $0xC0  }
0xab: {  	_ =	task [dreg:s6], $0x5FFFF  }
0xac: {  	[dreg:$0x1] =	wrdreg $0xFFFFFFFF  }
0xad: {  	[dreg:$0x0] =	wrdreg $0x60  }
0xae: {  	[dreg:$0x2] =	wrdreg s24  }
0xaf: {  	[dreg:$0x3] =	wrdreg $0x28000  }
0xb0: {  	[dreg:$0x4] =	wrdreg $0x9  }
0xb1: {  	_ =	task.clear_ibuf [dreg:s6], $0x5FFFF;
	_ =	strace $0x90000046  }
0xb2: {  	s29 =	simm.s32 $0x9;
	_ =	strace $0x80000048  }
0xb3: {  	_ =	swait.ge [sflag:s29], $0x1  }
0xb4: {  	[sflag:s29] =	ssyncadd.s32 $0xFFFFFFFF  }
0xb5: {  	_ =	strace $0x90000048  }
0xb6: {  	_ =	sfence  }
0xb7: {  	s30 =	sld [smem:$0x0];
	_ =	sdelay $0x2  }
0xb8: {  	s31 =	sshll.u32 s1, $0xD;
	s1 =	sshrl.u32 s1, $0x2  }
0xb9: {  	s3 =	sand.u32 $0x4000, s31;
	s1 =	sadd.s32 s1, s30  }
0xba: {  	s0 =	sor.u32 s3, s0;
	s1 =	sshll.u32 s1, $0x11  }
0xbb: {  	s0 =	sor.u32 s1, s0  }
0xbc: {  	s0 =	sadd.s32 $0x8F2B, s0  }
0xbd: {  	[sflag:s0] =	ssyncadd.remote.s32 $0x1  }
0xbe: {  	_ =	sfence.sel $0xFFFF  }
0xbf: {  	[dreg:$0x0] =	wrdreg $0xFFFFFFFF;
	(pc) =	sbr.abs _section_cstart, $3  }
0xc0: {  	[dreg:$0x1] =	wrdreg $0xFFFFFFFF  }
0xc1: {  	_ =	task.clear_ibuf [dreg:s6], $0x2FFFF;
	_ =	strace $0x9FFFFFFF  }
0xc2: {  	(tm) =	ssettm $0x7FFFFFFF  }
0xc3: {  	_ =	shalt  }
tec
execute0_lowered:
.L_overlay_start_1:
0x0: {  	(tag) =	ssettag $0x1  }
0x1: {  	s0 =	srdreg.scid;
	s1 =	rddreg [dreg:$0x0]  }
0x2: {  	s7 =	stileid.u32;
	s2 =	rddreg [dreg:$0x1];
	s11 =	simm.s32 $0x9  }
0x3: {  	s13 =	simm.s32 $0x20;
	s14 =	simm.s32 $0x16080;
	s15 =	simm.s32 $0x17080  }
0x4: {  	s16 =	simm.s32 $0x18080;
	s18 =	simm.s32 $0x19080;
	s20 =	simm.s32 $0x1A080  }
0x5: {  	s28 =	simm.s32 $0x3;
	s29 =	simm.s32 $0x4;
	s30 =	simm.s32 $0x5  }
0x6: {  	s31 =	simm.s32 $0x6;
	s19 =	simm.s32 $0x0;
	s0 =	sand.u32 $0x1, s0  }
0x7: {  	s3 =	sshll.u32 s7, $0x1;
	s5 =	smul.u32 $0x13880, s7;
	s23 =	sshll.u32 s7, $0x6  }
0x8: {  	s4 =	sor.u32 s0, s3;
	s3 =	simm.s32 $0x0;
	s0 =	ssub.s32 $0x2, s0  }
0x9: {  	s4 =	smul.u32 $0x280, s4;
	[smem:$0x7FF] =	sst s3;
	s6 =	sshrl.u32 s0, $0x1  }
0xa: {  	s22 =	sshrl.u32 s5, $0x3;
	s5 =	sadd.s32 s5, s2;
	_ =	strace $0x80000047  }
0xb: {  	s0 =	ssub.s32 s0, s6;
	s4 =	sadd.s32 s4, s1;
	s1 =	sadd.s32 s1, s22  }
0xc: {  	s10 =	sshrl.u32 s5, $0x3;
	[dreg:$0x3] =	wrdreg s1;
	s1 =	sor.u32 $0x1C09, s23  }
0xd: {  	s9 =	smax.u32 s0, $0x1;
	s24 =	sadd.s32 $0x27200, s4;
	[dreg:$0x4] =	wrdreg s1  }
0xe: {  	v0 =	vlaneseq.u32;
	s22 =	simm.s32 $0x1B080;
	s25 =	sadd.s32 $0x2C200, s4;
	[dreg:$0x5] =	wrdreg s24  }
0xf: {  	v1 =	vmul.u32 $0x80, v0;
	s0 =	simm.s32 $0x8;
	s26 =	sadd.s32 $0x31200, s4;
	[dreg:$0x6] =	wrdreg s25  }
0x10: {  	s23 =	simm.s32 $0x1C080;
	[dreg:$0x7] =	wrdreg s26;
	s24 =	simm.s32 $0x1D080  }
0x11: {  	v2 =	vor.u32 $0x800, v1;
	s25 =	simm.s32 $0x1;
	s26 =	simm.s32 $0x2;
	s1 =	simm.s32 $0x7  }
.LBB2_1:
0x12: {  	s4 =	rddreg [dreg:$0x3]  }
0x13: {  	s5 =	rddreg [dreg:$0x4]  }
0x14: {  	[spmem:s10], [sflag:s5] =	dma.local [hbm:s4], $0x2710  }
0x15: {  	_ =	swait.ge [sflag:s11], $0x2710  }
0x16: {  	[sflag:s11] =	ssyncset.done $0x0  }
0x17: {  	[sflag:s11] =	ssyncadd.s32 $0xFFFFD8F0  }
0x18: {  	[bflag:$0x0] =	sbarrier.arrive $0xFFFF  }
0x19: {  	s6 =	rddreg [dreg:$0x5]  }
0x1a: {  	[tilespmem:s3], [sflag:$0x9] =	stream.linear.gather [hbm4b:s6+s3], $0x1400, $0x38;
	[tilespmem:$0x1F480] =	vst v63  }
0x1b: {  	_ =	swait.ge [sflag:s11], $0x1400  }
0x1c: {  	[sflag:s11] =	ssyncset.done $0x0  }
0x1d: {  	s8 =	simm.s32 $0x1400;
	s7 =	rddreg [dreg:$0x6];
	[sflag:s11] =	ssyncadd.s32 $0xFFFFEC00  }
0x1e: {  	[tilespmem:s8], [sflag:$0x9] =	stream.linear.gather [hbm4b:s7+s3], $0x1400, $0x38;
	[tilespmem:$0x1F480] =	vst v63  }
0x1f: {  	_ =	swait.ge [sflag:s11], $0x1400  }
0x20: {  	[sflag:s11] =	ssyncset.done $0x0  }
0x21: {  	[sflag:s11] =	ssyncadd.s32 $0xFFFFEC00  }
0x22: {  	[tilespmem:s14], [sflag:$0x1] =	stream.indirect.gather [spmem:s2], $0x80, s3, s13, $0xb8;
	[tilespmem:$0x1F480] =	vst v63  }
0x23: {  	_ = 	snop  }
0x24: {  	[tilespmem:s15], [sflag:$0x2] =	stream.indirect.gather [spmem:s2], $0x80, s8, s13, $0xb8;
	[tilespmem:$0x1F480] =	vst v63  }
0x25: {  	_ = 	snop  }
0x26: {  	[tilespmem:s16], [sflag:$0x3] =	stream.indirect.gather [spmem:s2], $0x80, s13, s13, $0xb8;
	[tilespmem:$0x1F480] =	vst v63  }
0x27: {  	s12 =	simm.s32 $0x1420  }
0x28: {  	[tilespmem:s18], [sflag:$0x4] =	stream.indirect.gather [spmem:s2], $0x80, s12, s13, $0xb8;
	[tilespmem:$0x1F480] =	vst v63  }
0x29: {  	s17 =	simm.s32 $0x40  }
0x2a: {  	[tilespmem:s20], [sflag:$0x5] =	stream.indirect.gather [spmem:s2], $0x80, s17, s13, $0xb8;
	[tilespmem:$0x1F480] =	vst v63  }
0x2b: {  	s21 =	simm.s32 $0x1440  }
0x2c: {  	[tilespmem:s22], [sflag:$0x6] =	stream.indirect.gather [spmem:s2], $0x80, s21, s13, $0xb8;
	[tilespmem:$0x1F480] =	vst v63  }
0x2d: {  	s21 =	simm.s32 $0x0  }
.LBB2_2:
0x2e: {  	s12 =	sshll.u32 s21, $0x7  }
0x2f: {  	s17 =	sor.u32 $0x60, s12  }
0x30: {  	[tilespmem:s23], [sflag:$0x7] =	stream.indirect.gather [spmem:s2], $0x80, s17, s13, $0xb8;
	[tilespmem:$0x1F480] =	vst v63  }
0x31: {  	s6 =	simm.s32 $0x1;
	s5 =	simm.s32 $0x2;
	s4 =	sadd.s32 $0x1460, s12  }
0x32: {  	v3 =	vadd.s32 s6, v0;
	[tilespmem:s24], [sflag:$0x8] =	stream.indirect.gather [spmem:s2], $0x80, s4, s13, $0xb8;
	[tilespmem:$0x1F480] =	vst v63  }
0x33: {  	v4 =	vadd.s32 s5, v0;
	v3 =	vand.u32 $0x7F, v3;
	_ =	swait.ge [sflag:s25], $0x1000  }
0x34: {  	v4 =	vand.u32 $0x7F, v4;
	v5 =	vor.u32 v2, v3;
	[sflag:s25] =	ssyncset.done $0x0  }
0x35: {  	v6 =	vor.u32 v1, v4;
	[sflag:s25] =	ssyncadd.s32 $0xFFFFF000  }
0x36: {  	v4 =	vor.u32 v2, v4;
	_ =	swait.ge [sflag:s26], $0x1000  }
0x37: {  	[sflag:s26] =	ssyncset.done $0x0  }
0x38: {  	[sflag:s26] =	ssyncadd.s32 $0xFFFFF000  }
0x39: {  	s7 =	simm.s32 $0x3;
	v8 =	vld.idx.msk [tilespmem:v5+s14+$0x0], $0xffff  }
0x3a: {  	v7 =	vadd.s32 s7, v0;
	v3 =	vor.u32 v1, v3;
	v12 =	vld.idx.msk [tilespmem:v6+s14+$0x0], $0xffff  }
0x3b: {  	v7 =	vand.u32 $0x7F, v7;
	v11 =	vld.idx.msk [tilespmem:v4+s15+$0x0], $0xffff  }
0x3c: {  	s8 =	simm.s32 $0x0;
	v16 =	vor.u32 v2, v7;
	v4 =	vld.idx.msk [tilespmem:v4+s14+$0x0], $0xffff  }
0x3d: {  	v9 =	vadd.s32 s8, v0;
	v13 =	vld.idx.msk [tilespmem:v5+s15+$0x0], $0xffff  }
0x3e: {  	v10 =	vor.u32 v1, v7;
	v5 =	vand.u32 $0x7F, v9;
	v9 =	vld.idx.msk [tilespmem:v6+s15+$0x0], $0xffff  }
0x3f: {  	v14 =	vld.idx.msk [tilespmem:v3+s15+$0x0], $0xffff  }
0x40: {  	v15 =	vld.idx.msk [tilespmem:v3+s14+$0x0], $0xffff;
	v17 =	vor.u32 v1, v5  }
0x41: {  	v7 =	vimm.f32 $0.0e+00;
	v26 =	vld.idx.msk [tilespmem:v16+s15+$0x0], $0xffff;
	v18 =	vor.u32 v2, v5  }
0x42: {  	v5 =	vld.idx.msk [tilespmem:v16+s14+$0x0], $0xffff;
	v16 =	vimm.f32 $0.0e+00;
	v19 =	vunpack.i.u.bf16.f32 v8;
	v6 =	vunpack.i.l.bf16.f32 v8  }
0x43: {  	v3 =	vld.idx.msk [tilespmem:v10+s15+$0x0], $0xffff;
	v8 =	vunpack.i.u.bf16.f32 v4;
	v20 =	vunpack.i.u.bf16.f32 v13;
	v13 =	vunpack.i.l.bf16.f32 v13  }
0x44: {  	v23 =	vld.idx.msk [tilespmem:v10+s14+$0x0], $0xffff;
	v4 =	vunpack.i.l.bf16.f32 v4;
	v25 =	vunpack.i.u.bf16.f32 v9;
	v24 =	vunpack.i.l.bf16.f32 v9  }
0x45: {  	v27 =	vunpack.i.l.bf16.f32 v12;
	v6 =	vmul.f32 v13, v6;
	v10 =	vmul.f32 v20, v19;
	v22 =	vld.idx.msk [tilespmem:v17+s14+$0x0], $0xffff  }
0x46: {  	v13 =	vunpack.i.l.bf16.f32 v11;
	v19 =	vunpack.i.u.bf16.f32 v14;
	v14 =	vunpack.i.l.bf16.f32 v14;
	v20 =	vld.idx.msk [tilespmem:v18+s15+$0x0], $0xffff  }
0x47: {  	v11 =	vunpack.i.u.bf16.f32 v11;
	v21 =	vld.idx.msk [tilespmem:v18+s14+$0x0], $0xffff;
	v18 =	vunpack.i.u.bf16.f32 v5;
	v4 =	vmul.f32 v13, v4  }
0x48: {  	v13 =	vunpack.i.u.bf16.f32 v15;
	v15 =	vunpack.i.l.bf16.f32 v15;
	v11 =	vmul.f32 v11, v8  }
0x49: {  	v8 =	vunpack.i.u.bf16.f32 v3;
	v9 =	vmul.f32 v19, v13;
	v15 =	vmul.f32 v14, v15  }
0x4a: {  	v13 =	vunpack.i.u.bf16.f32 v12;
	v12 =	vunpack.i.u.bf16.f32 v23;
	v14 =	vunpack.i.l.bf16.f32 v23;
	v19 =	vld.idx.msk [tilespmem:v17+s15+$0x0], $0xffff  }
0x4b: {  	v17 =	vimm.f32 $0.0e+00;
	v13 =	vmul.f32 v25, v13;
	v8 =	vmul.f32 v8, v12  }
0x4c: {  	s4 =	simm.s32 $0x4;
	v12 =	vimm.f32 $0.0e+00;
	v23 =	vunpack.i.u.bf16.f32 v22;
	v25 =	vunpack.i.l.bf16.f32 v20  }
.LBB2_3:
0x4d: {  	s6 =	sadd.s32 $0x1, s4  }
0x4e: {  	s7 =	sadd.s32 $0x2, s4;
	v22 =	vunpack.i.l.bf16.f32 v22;
	v28 =	vunpack.i.u.bf16.f32 v21;
	v24 =	vmul.f32 v24, v27;
	s8 =	smov.u32 s4;
	s5 =	sadd.s32 $0x4, s4  }
0x4f: {  	p0 =	slt.u32 s4, $0x7C;
	v30 =	vunpack.i.l.bf16.f32 v19;
	v27 =	vadd.s32 s6, v0;
	v29 =	vadd.s32 s7, v0  }
0x50: {  	v20 =	vunpack.i.u.bf16.f32 v20;
	v27 =	vand.u32 $0x7F, v27;
	v29 =	vand.u32 $0x7F, v29  }
0x51: {  	v32 =	vunpack.i.u.bf16.f32 v26;
	v26 =	vunpack.i.l.bf16.f32 v26;
	v31 =	vor.u32 v2, v27  }
0x52: {  	v20 =	vmul.f32 v20, v28;
	v33 =	vor.u32 v1, v29;
	v29 =	vor.u32 v2, v29  }
0x53: {  	v21 =	vunpack.i.l.bf16.f32 v21;
	v28 =	vadd.s32 s8, v0;
	v22 =	vmul.f32 v30, v22  }
0x54: {  	v28 =	vand.u32 $0x7F, v28;
	v27 =	vor.u32 v1, v27;
	v7 =	vadd.f32 v20, v7  }
0x55: {  	s4 =	sadd.s32 $0x3, s8;
	v30 =	vor.u32 v1, v28;
	v28 =	vor.u32 v2, v28;
	v20 =	vmul.f32 v25, v21  }
0x56: {  	v19 =	vunpack.i.u.bf16.f32 v19;
	v25 =	vadd.s32 s4, v0;
	v7 =	vadd.f32 v10, v7;
	v21 =	vld.idx.msk [tilespmem:v31+s14+$0x0], $0xffff  }
0x57: {  	v5 =	vunpack.i.l.bf16.f32 v5;
	v19 =	vmul.f32 v19, v23;
	v10 =	vand.u32 $0x7F, v25;
	v34 =	vld.idx.msk [tilespmem:v33+s14+$0x0], $0xffff  }
0x58: {  	v17 =	vadd.f32 v22, v17;
	v12 =	vadd.f32 v20, v12;
	v25 =	vor.u32 v2, v10;
	v23 =	vld.idx.msk [tilespmem:v29+s15+$0x0], $0xffff  }
0x59: {  	v16 =	vadd.f32 v19, v16;
	v19 =	vmul.f32 v26, v5;
	v10 =	vor.u32 v1, v10;
	v20 =	vld.idx.msk [tilespmem:v29+s14+$0x0], $0xffff  }
0x5a: {  	v3 =	vunpack.i.l.bf16.f32 v3;
	v5 =	vadd.f32 v6, v12;
	v6 =	vadd.f32 v11, v7;
	v22 =	vld.idx.msk [tilespmem:v31+s15+$0x0], $0xffff  }
0x5b: {  	v9 =	vadd.f32 v9, v16;
	v7 =	vadd.f32 v15, v17;
	v15 =	vmul.f32 v32, v18;
	v11 =	vld.idx.msk [tilespmem:v33+s15+$0x0], $0xffff  }
0x5c: {  	v4 =	vadd.f32 v4, v5;
	v26 =	vunpack.i.u.bf16.f32 v21;
	v21 =	vunpack.i.l.bf16.f32 v21;
	v18 =	vld.idx.msk [tilespmem:v27+s15+$0x0], $0xffff  }
0x5d: {  	v9 =	vadd.f32 v13, v9;
	v13 =	vmul.f32 v3, v14;
	v16 =	vadd.f32 v24, v7;
	v27 =	vld.idx.msk [tilespmem:v27+s14+$0x0], $0xffff  }
0x5e: {  	v7 =	vadd.f32 v15, v6;
	v12 =	vadd.f32 v19, v4;
	v5 =	vld.idx.msk [tilespmem:v25+s14+$0x0], $0xffff  }
0x5f: {  	v17 =	vadd.f32 v13, v16;
	v16 =	vadd.f32 v8, v9;
	v14 =	vunpack.i.u.bf16.f32 v20;
	v3 =	vld.idx.msk [tilespmem:v10+s15+$0x0], $0xffff  }
0x60: {  	v8 =	vunpack.i.l.bf16.f32 v20;
	v4 =	vunpack.i.u.bf16.f32 v22;
	v6 =	vunpack.i.l.bf16.f32 v22;
	v29 =	vld.idx.msk [tilespmem:v10+s14+$0x0], $0xffff  }
0x61: {  	v6 =	vmul.f32 v6, v21;
	v10 =	vmul.f32 v4, v26;
	v4 =	vunpack.i.l.bf16.f32 v23;
	v22 =	vld.idx.msk [tilespmem:v30+s14+$0x0], $0xffff  }
0x62: {  	v9 =	vunpack.i.u.bf16.f32 v18;
	v13 =	vunpack.i.l.bf16.f32 v18;
	v4 =	vmul.f32 v4, v8;
	v20 =	vld.idx.msk [tilespmem:v28+s15+$0x0], $0xffff  }
0x63: {  	v24 =	vunpack.i.l.bf16.f32 v11;
	v18 =	vunpack.i.u.bf16.f32 v11;
	v8 =	vunpack.i.u.bf16.f32 v27;
	v21 =	vld.idx.msk [tilespmem:v28+s14+$0x0], $0xffff  }
.Ltmp0:
0x64: {  	v11 =	vunpack.i.l.bf16.f32 v27;
	v9 =	vmul.f32 v9, v8;
	v8 =	vunpack.i.u.bf16.f32 v23;
	v19 =	vld.idx.msk [tilespmem:v30+s15+$0x0], $0xffff;
	(pc) =	sbr.rel @p0 .LBB2_3-.Ltmp0, $4  }
0x65: {  	v15 =	vmul.f32 v13, v11;
	v11 =	vmul.f32 v8, v14;
	v8 =	vunpack.i.u.bf16.f32 v3  }
0x66: {  	v27 =	vunpack.i.l.bf16.f32 v34;
	v13 =	vunpack.i.u.bf16.f32 v34;
	v23 =	vunpack.i.u.bf16.f32 v29;
	v26 =	vld.idx.msk [tilespmem:v25+s15+$0x0], $0xffff  }
0x67: {  	v13 =	vmul.f32 v18, v13;
	v14 =	vunpack.i.l.bf16.f32 v29;
	v8 =	vmul.f32 v8, v23  }
0x68: {  	s4 =	smov.u32 s5;
	v18 =	vunpack.i.u.bf16.f32 v5;
	v23 =	vunpack.i.u.bf16.f32 v22;
	v25 =	vunpack.i.l.bf16.f32 v20  }
0x69: {  	v22 =	vunpack.i.l.bf16.f32 v22;
	v28 =	vunpack.i.u.bf16.f32 v21;
	v20 =	vunpack.i.u.bf16.f32 v20  }
0x6a: {  	v29 =	vunpack.i.l.bf16.f32 v19;
	v19 =	vunpack.i.u.bf16.f32 v19;
	v20 =	vmul.f32 v20, v28  }
0x6b: {  	v21 =	vunpack.i.l.bf16.f32 v21;
	v22 =	vmul.f32 v29, v22;
	v19 =	vmul.f32 v19, v23  }
0x6c: {  	v5 =	vunpack.i.l.bf16.f32 v5;
	v7 =	vadd.f32 v20, v7;
	v20 =	vmul.f32 v25, v21  }
0x6d: {  	v3 =	vunpack.i.l.bf16.f32 v3;
	v17 =	vadd.f32 v22, v17;
	v16 =	vadd.f32 v19, v16  }
0x6e: {  	v23 =	vmul.f32 v24, v27;
	v7 =	vadd.f32 v10, v7;
	v10 =	vadd.f32 v20, v12  }
0x6f: {  	v3 =	vmul.f32 v3, v14;
	v12 =	vadd.f32 v15, v17;
	v9 =	vadd.f32 v9, v16  }
0x70: {  	v21 =	vunpack.i.u.bf16.f32 v26;
	v19 =	vunpack.i.l.bf16.f32 v26;
	v6 =	vadd.f32 v6, v10  }
0x71: {  	v5 =	vmul.f32 v19, v5;
	v10 =	vadd.f32 v23, v12;
	v9 =	vadd.f32 v13, v9  }
0x72: {  	v7 =	vadd.f32 v11, v7;
	v11 =	vmul.f32 v21, v18;
	v4 =	vadd.f32 v4, v6  }
0x73: {  	v3 =	vadd.f32 v3, v10;
	v6 =	vadd.f32 v8, v9  }
0x74: {  	v4 =	vadd.f32 v5, v4;
	v5 =	vadd.f32 v11, v7  }
0x75: {  	v3 =	vadd.f32 v6, v3  }
0x76: {  	v4 =	vadd.f32 v5, v4  }
0x77: {  	p0 =	seq.s32 s21, $0x27;
	[tilespmem:s12+$0x1E080] =	vst v3  }
0x78: {  	s4 =	sadd.s32 @!p0 $0x80, s12;
	s5 =	simm.s32 @!p0 $0x20;
	s6 =	simm.s32 @!p0 $0x16080;
	[tilespmem:s12+$0x1E090] =	vst v4  }
0x79: {  	[tilespmem:s6], [sflag:$0x1] =	stream.indirect.gather @!p0 [spmem:s2], $0x80, s4, s5, $0xb8;
	[tilespmem:$0x1F480] =	vst v63  }
0x7a: {  	s7 =	simm.s32 $0x3;
	s4 =	sadd.s32 @!p0 $0x1480, s12;
	s6 =	simm.s32 @!p0 $0x17080  }
0x7b: {  	v7 =	vadd.s32 s7, v0;
	[tilespmem:s6], [sflag:$0x2] =	stream.indirect.gather @!p0 [spmem:s2], $0x80, s4, s5, $0xb8;
	[tilespmem:$0x1F480] =	vst v63  }
0x7c: {  	v7 =	vand.u32 $0x7F, v7;
	s5 =	simm.s32 $0x1;
	_ =	swait.ge [sflag:s28], $0x1000  }
0x7d: {  	v10 =	vor.u32 v1, v7;
	s6 =	simm.s32 $0x2;
	v3 =	vadd.s32 s5, v0;
	[sflag:s28] =	ssyncset.done $0x0  }
0x7e: {  	v16 =	vor.u32 v2, v7;
	v4 =	vadd.s32 s6, v0;
	v3 =	vand.u32 $0x7F, v3;
	[sflag:s28] =	ssyncadd.s32 $0xFFFFF000  }
0x7f: {  	v4 =	vand.u32 $0x7F, v4;
	v5 =	vor.u32 v2, v3;
	_ =	swait.ge [sflag:s29], $0x1000  }
0x80: {  	v6 =	vor.u32 v1, v4;
	v4 =	vor.u32 v2, v4;
	[sflag:s29] =	ssyncset.done $0x0  }
0x81: {  	[sflag:s29] =	ssyncadd.s32 $0xFFFFF000  }
0x82: {  	v23 =	vld.idx.msk [tilespmem:v10+s16+$0x0], $0xffff  }
0x83: {  	v26 =	vld.idx.msk [tilespmem:v16+s18+$0x0], $0xffff  }
0x84: {  	v8 =	vld.idx.msk [tilespmem:v5+s16+$0x0], $0xffff  }
0x85: {  	v3 =	vor.u32 v1, v3;
	v11 =	vld.idx.msk [tilespmem:v4+s18+$0x0], $0xffff  }
0x86: {  	s8 =	simm.s32 $0x0;
	v4 =	vld.idx.msk [tilespmem:v4+s16+$0x0], $0xffff  }
0x87: {  	v9 =	vadd.s32 s8, v0;
	v13 =	vld.idx.msk [tilespmem:v5+s18+$0x0], $0xffff  }
0x88: {  	v5 =	vand.u32 $0x7F, v9;
	v9 =	vld.idx.msk [tilespmem:v6+s18+$0x0], $0xffff  }
0x89: {  	v12 =	vld.idx.msk [tilespmem:v6+s16+$0x0], $0xffff;
	v17 =	vor.u32 v1, v5  }
0x8a: {  	v7 =	vimm.f32 $0.0e+00;
	v14 =	vld.idx.msk [tilespmem:v3+s18+$0x0], $0xffff;
	v18 =	vor.u32 v2, v5  }
0x8b: {  	v5 =	vld.idx.msk [tilespmem:v16+s16+$0x0], $0xffff;
	v16 =	vimm.f32 $0.0e+00;
	v19 =	vunpack.i.u.bf16.f32 v8;
	v6 =	vunpack.i.l.bf16.f32 v8  }
0x8c: {  	v15 =	vld.idx.msk [tilespmem:v3+s16+$0x0], $0xffff;
	v8 =	vunpack.i.u.bf16.f32 v4;
	v20 =	vunpack.i.u.bf16.f32 v13;
	v13 =	vunpack.i.l.bf16.f32 v13  }
0x8d: {  	v3 =	vld.idx.msk [tilespmem:v10+s18+$0x0], $0xffff;
	v4 =	vunpack.i.l.bf16.f32 v4;
	v25 =	vunpack.i.u.bf16.f32 v9;
	v24 =	vunpack.i.l.bf16.f32 v9  }
0x8e: {  	v27 =	vunpack.i.l.bf16.f32 v12;
	v6 =	vmul.f32 v13, v6;
	v10 =	vmul.f32 v20, v19;
	v22 =	vld.idx.msk [tilespmem:v17+s16+$0x0], $0xffff  }
0x8f: {  	v13 =	vunpack.i.l.bf16.f32 v11;
	v19 =	vunpack.i.u.bf16.f32 v14;
	v14 =	vunpack.i.l.bf16.f32 v14;
	v20 =	vld.idx.msk [tilespmem:v18+s18+$0x0], $0xffff  }
0x90: {  	v11 =	vunpack.i.u.bf16.f32 v11;
	v21 =	vld.idx.msk [tilespmem:v18+s16+$0x0], $0xffff;
	v18 =	vunpack.i.u.bf16.f32 v5;
	v4 =	vmul.f32 v13, v4  }
0x91: {  	v13 =	vunpack.i.u.bf16.f32 v15;
	v15 =	vunpack.i.l.bf16.f32 v15;
	v11 =	vmul.f32 v11, v8  }
0x92: {  	v8 =	vunpack.i.u.bf16.f32 v3;
	v9 =	vmul.f32 v19, v13;
	v15 =	vmul.f32 v14, v15  }
0x93: {  	v13 =	vunpack.i.u.bf16.f32 v12;
	v12 =	vunpack.i.u.bf16.f32 v23;
	v14 =	vunpack.i.l.bf16.f32 v23;
	v19 =	vld.idx.msk [tilespmem:v17+s18+$0x0], $0xffff  }
0x94: {  	v17 =	vimm.f32 $0.0e+00;
	v13 =	vmul.f32 v25, v13;
	v8 =	vmul.f32 v8, v12  }
0x95: {  	s5 =	simm.s32 $0x4;
	v12 =	vimm.f32 $0.0e+00;
	v23 =	vunpack.i.u.bf16.f32 v22;
	v25 =	vunpack.i.l.bf16.f32 v20  }
.LBB2_5:
0x96: {  	s6 =	sadd.s32 $0x1, s5  }
0x97: {  	s7 =	sadd.s32 $0x2, s5;
	v22 =	vunpack.i.l.bf16.f32 v22;
	v28 =	vunpack.i.u.bf16.f32 v21;
	v24 =	vmul.f32 v24, v27;
	s8 =	smov.u32 s5;
	s4 =	sadd.s32 $0x4, s5  }
0x98: {  	p1 =	slt.u32 s5, $0x7C;
	v30 =	vunpack.i.l.bf16.f32 v19;
	v27 =	vadd.s32 s6, v0;
	v29 =	vadd.s32 s7, v0  }
0x99: {  	v20 =	vunpack.i.u.bf16.f32 v20;
	v27 =	vand.u32 $0x7F, v27;
	v29 =	vand.u32 $0x7F, v29  }
0x9a: {  	v32 =	vunpack.i.u.bf16.f32 v26;
	v26 =	vunpack.i.l.bf16.f32 v26;
	v31 =	vor.u32 v2, v27  }
0x9b: {  	v20 =	vmul.f32 v20, v28;
	v33 =	vor.u32 v1, v29;
	v29 =	vor.u32 v2, v29  }
0x9c: {  	v21 =	vunpack.i.l.bf16.f32 v21;
	v28 =	vadd.s32 s8, v0;
	v22 =	vmul.f32 v30, v22  }
0x9d: {  	v28 =	vand.u32 $0x7F, v28;
	v27 =	vor.u32 v1, v27;
	v7 =	vadd.f32 v20, v7  }
0x9e: {  	s5 =	sadd.s32 $0x3, s8;
	v30 =	vor.u32 v1, v28;
	v28 =	vor.u32 v2, v28;
	v20 =	vmul.f32 v25, v21  }
0x9f: {  	v19 =	vunpack.i.u.bf16.f32 v19;
	v25 =	vadd.s32 s5, v0;
	v7 =	vadd.f32 v10, v7;
	v21 =	vld.idx.msk [tilespmem:v31+s16+$0x0], $0xffff  }
0xa0: {  	v5 =	vunpack.i.l.bf16.f32 v5;
	v19 =	vmul.f32 v19, v23;
	v10 =	vand.u32 $0x7F, v25;
	v34 =	vld.idx.msk [tilespmem:v33+s16+$0x0], $0xffff  }
0xa1: {  	v17 =	vadd.f32 v22, v17;
	v12 =	vadd.f32 v20, v12;
	v25 =	vor.u32 v2, v10;
	v23 =	vld.idx.msk [tilespmem:v29+s18+$0x0], $0xffff  }
0xa2: {  	v16 =	vadd.f32 v19, v16;
	v19 =	vmul.f32 v26, v5;
	v10 =	vor.u32 v1, v10;
	v20 =	vld.idx.msk [tilespmem:v29+s16+$0x0], $0xffff  }
0xa3: {  	v3 =	vunpack.i.l.bf16.f32 v3;
	v5 =	vadd.f32 v6, v12;
	v6 =	vadd.f32 v11, v7;
	v22 =	vld.idx.msk [tilespmem:v31+s18+$0x0], $0xffff  }
0xa4: {  	v9 =	vadd.f32 v9, v16;
	v7 =	vadd.f32 v15, v17;
	v15 =	vmul.f32 v32, v18;
	v11 =	vld.idx.msk [tilespmem:v33+s18+$0x0], $0xffff  }
0xa5: {  	v4 =	vadd.f32 v4, v5;
	v26 =	vunpack.i.u.bf16.f32 v21;
	v21 =	vunpack.i.l.bf16.f32 v21;
	v18 =	vld.idx.msk [tilespmem:v27+s18+$0x0], $0xffff  }
0xa6: {  	v9 =	vadd.f32 v13, v9;
	v13 =	vmul.f32 v3, v14;
	v16 =	vadd.f32 v24, v7;
	v27 =	vld.idx.msk [tilespmem:v27+s16+$0x0], $0xffff  }
0xa7: {  	v7 =	vadd.f32 v15, v6;
	v12 =	vadd.f32 v19, v4;
	v5 =	vld.idx.msk [tilespmem:v25+s16+$0x0], $0xffff  }
0xa8: {  	v17 =	vadd.f32 v13, v16;
	v16 =	vadd.f32 v8, v9;
	v14 =	vunpack.i.u.bf16.f32 v20;
	v3 =	vld.idx.msk [tilespmem:v10+s18+$0x0], $0xffff  }
0xa9: {  	v8 =	vunpack.i.l.bf16.f32 v20;
	v4 =	vunpack.i.u.bf16.f32 v22;
	v6 =	vunpack.i.l.bf16.f32 v22;
	v29 =	vld.idx.msk [tilespmem:v10+s16+$0x0], $0xffff  }
0xaa: {  	v6 =	vmul.f32 v6, v21;
	v10 =	vmul.f32 v4, v26;
	v4 =	vunpack.i.l.bf16.f32 v23;
	v22 =	vld.idx.msk [tilespmem:v30+s16+$0x0], $0xffff  }
0xab: {  	v9 =	vunpack.i.u.bf16.f32 v18;
	v13 =	vunpack.i.l.bf16.f32 v18;
	v4 =	vmul.f32 v4, v8;
	v20 =	vld.idx.msk [tilespmem:v28+s18+$0x0], $0xffff  }
0xac: {  	v24 =	vunpack.i.l.bf16.f32 v11;
	v18 =	vunpack.i.u.bf16.f32 v11;
	v8 =	vunpack.i.u.bf16.f32 v27;
	v21 =	vld.idx.msk [tilespmem:v28+s16+$0x0], $0xffff  }
.Ltmp1:
0xad: {  	v11 =	vunpack.i.l.bf16.f32 v27;
	v9 =	vmul.f32 v9, v8;
	v8 =	vunpack.i.u.bf16.f32 v23;
	v19 =	vld.idx.msk [tilespmem:v30+s18+$0x0], $0xffff;
	(pc) =	sbr.rel @p1 .LBB2_5-.Ltmp1, $4  }
0xae: {  	v15 =	vmul.f32 v13, v11;
	v11 =	vmul.f32 v8, v14;
	v8 =	vunpack.i.u.bf16.f32 v3  }
0xaf: {  	v27 =	vunpack.i.l.bf16.f32 v34;
	v13 =	vunpack.i.u.bf16.f32 v34;
	v23 =	vunpack.i.u.bf16.f32 v29;
	v26 =	vld.idx.msk [tilespmem:v25+s18+$0x0], $0xffff  }
0xb0: {  	v13 =	vmul.f32 v18, v13;
	v14 =	vunpack.i.l.bf16.f32 v29;
	v8 =	vmul.f32 v8, v23  }
0xb1: {  	s5 =	smov.u32 s4;
	v18 =	vunpack.i.u.bf16.f32 v5;
	v23 =	vunpack.i.u.bf16.f32 v22;
	v25 =	vunpack.i.l.bf16.f32 v20  }
0xb2: {  	v22 =	vunpack.i.l.bf16.f32 v22;
	v28 =	vunpack.i.u.bf16.f32 v21;
	v20 =	vunpack.i.u.bf16.f32 v20  }
0xb3: {  	v29 =	vunpack.i.l.bf16.f32 v19;
	v19 =	vunpack.i.u.bf16.f32 v19;
	v20 =	vmul.f32 v20, v28  }
0xb4: {  	v21 =	vunpack.i.l.bf16.f32 v21;
	v22 =	vmul.f32 v29, v22;
	v19 =	vmul.f32 v19, v23  }
0xb5: {  	v5 =	vunpack.i.l.bf16.f32 v5;
	v7 =	vadd.f32 v20, v7;
	v20 =	vmul.f32 v25, v21  }
0xb6: {  	v3 =	vunpack.i.l.bf16.f32 v3;
	v17 =	vadd.f32 v22, v17;
	v16 =	vadd.f32 v19, v16  }
0xb7: {  	v23 =	vmul.f32 v24, v27;
	v7 =	vadd.f32 v10, v7;
	v10 =	vadd.f32 v20, v12  }
0xb8: {  	v3 =	vmul.f32 v3, v14;
	v12 =	vadd.f32 v15, v17;
	v9 =	vadd.f32 v9, v16  }
0xb9: {  	v21 =	vunpack.i.u.bf16.f32 v26;
	v19 =	vunpack.i.l.bf16.f32 v26;
	v6 =	vadd.f32 v6, v10  }
0xba: {  	v5 =	vmul.f32 v19, v5;
	v10 =	vadd.f32 v23, v12;
	v9 =	vadd.f32 v13, v9  }
0xbb: {  	v7 =	vadd.f32 v11, v7;
	v11 =	vmul.f32 v21, v18;
	v4 =	vadd.f32 v4, v6  }
0xbc: {  	v3 =	vadd.f32 v3, v10;
	v6 =	vadd.f32 v8, v9  }
0xbd: {  	v4 =	vadd.f32 v5, v4;
	v5 =	vadd.f32 v11, v7  }
0xbe: {  	v3 =	vadd.f32 v6, v3  }
0xbf: {  	v4 =	vadd.f32 v5, v4  }
0xc0: {  	[tilespmem:s12+$0x1E0A0] =	vst v3  }
0xc1: {  	s4 =	sadd.s32 @!p0 $0xA0, s12;
	s5 =	simm.s32 @!p0 $0x20;
	s6 =	simm.s32 @!p0 $0x18080;
	[tilespmem:s12+$0x1E0B0] =	vst v4  }
0xc2: {  	[tilespmem:s6], [sflag:$0x3] =	stream.indirect.gather @!p0 [spmem:s2], $0x80, s4, s5, $0xb8;
	[tilespmem:$0x1F480] =	vst v63  }
0xc3: {  	s7 =	simm.s32 $0x3;
	s4 =	sadd.s32 @!p0 $0x14A0, s12;
	s6 =	simm.s32 @!p0 $0x19080  }
0xc4: {  	v7 =	vadd.s32 s7, v0;
	[tilespmem:s6], [sflag:$0x4] =	stream.indirect.gather @!p0 [spmem:s2], $0x80, s4, s5, $0xb8;
	[tilespmem:$0x1F480] =	vst v63  }
0xc5: {  	v7 =	vand.u32 $0x7F, v7;
	s5 =	simm.s32 $0x1;
	_ =	swait.ge [sflag:s30], $0x1000  }
0xc6: {  	v10 =	vor.u32 v1, v7;
	s6 =	simm.s32 $0x2;
	v3 =	vadd.s32 s5, v0;
	[sflag:s30] =	ssyncset.done $0x0  }
0xc7: {  	v16 =	vor.u32 v2, v7;
	v4 =	vadd.s32 s6, v0;
	v3 =	vand.u32 $0x7F, v3;
	[sflag:s30] =	ssyncadd.s32 $0xFFFFF000  }
0xc8: {  	v4 =	vand.u32 $0x7F, v4;
	v5 =	vor.u32 v2, v3;
	_ =	swait.ge [sflag:s31], $0x1000  }
0xc9: {  	v6 =	vor.u32 v1, v4;
	v4 =	vor.u32 v2, v4;
	[sflag:s31] =	ssyncset.done $0x0  }
0xca: {  	[sflag:s31] =	ssyncadd.s32 $0xFFFFF000  }
0xcb: {  	v23 =	vld.idx.msk [tilespmem:v10+s20+$0x0], $0xffff  }
0xcc: {  	v26 =	vld.idx.msk [tilespmem:v16+s22+$0x0], $0xffff  }
0xcd: {  	v8 =	vld.idx.msk [tilespmem:v5+s20+$0x0], $0xffff  }
0xce: {  	v3 =	vor.u32 v1, v3;
	v11 =	vld.idx.msk [tilespmem:v4+s22+$0x0], $0xffff  }
0xcf: {  	s8 =	simm.s32 $0x0;
	v4 =	vld.idx.msk [tilespmem:v4+s20+$0x0], $0xffff  }
0xd0: {  	v9 =	vadd.s32 s8, v0;
	v13 =	vld.idx.msk [tilespmem:v5+s22+$0x0], $0xffff  }
0xd1: {  	v5 =	vand.u32 $0x7F, v9;
	v9 =	vld.idx.msk [tilespmem:v6+s22+$0x0], $0xffff  }
0xd2: {  	v12 =	vld.idx.msk [tilespmem:v6+s20+$0x0], $0xffff;
	v17 =	vor.u32 v1, v5  }
0xd3: {  	v7 =	vimm.f32 $0.0e+00;
	v14 =	vld.idx.msk [tilespmem:v3+s22+$0x0], $0xffff;
	v18 =	vor.u32 v2, v5  }
0xd4: {  	v5 =	vld.idx.msk [tilespmem:v16+s20+$0x0], $0xffff;
	v16 =	vimm.f32 $0.0e+00;
	v19 =	vunpack.i.u.bf16.f32 v8;
	v6 =	vunpack.i.l.bf16.f32 v8  }
0xd5: {  	v15 =	vld.idx.msk [tilespmem:v3+s20+$0x0], $0xffff;
	v8 =	vunpack.i.u.bf16.f32 v4;
	v20 =	vunpack.i.u.bf16.f32 v13;
	v13 =	vunpack.i.l.bf16.f32 v13  }
0xd6: {  	v3 =	vld.idx.msk [tilespmem:v10+s22+$0x0], $0xffff;
	v4 =	vunpack.i.l.bf16.f32 v4;
	v25 =	vunpack.i.u.bf16.f32 v9;
	v24 =	vunpack.i.l.bf16.f32 v9  }
0xd7: {  	v27 =	vunpack.i.l.bf16.f32 v12;
	v6 =	vmul.f32 v13, v6;
	v10 =	vmul.f32 v20, v19;
	v22 =	vld.idx.msk [tilespmem:v17+s20+$0x0], $0xffff  }
0xd8: {  	v13 =	vunpack.i.l.bf16.f32 v11;
	v19 =	vunpack.i.u.bf16.f32 v14;
	v14 =	vunpack.i.l.bf16.f32 v14;
	v20 =	vld.idx.msk [tilespmem:v18+s22+$0x0], $0xffff  }
0xd9: {  	v11 =	vunpack.i.u.bf16.f32 v11;
	v21 =	vld.idx.msk [tilespmem:v18+s20+$0x0], $0xffff;
	v18 =	vunpack.i.u.bf16.f32 v5;
	v4 =	vmul.f32 v13, v4  }
0xda: {  	v13 =	vunpack.i.u.bf16.f32 v15;
	v15 =	vunpack.i.l.bf16.f32 v15;
	v11 =	vmul.f32 v11, v8  }
0xdb: {  	v8 =	vunpack.i.u.bf16.f32 v3;
	v9 =	vmul.f32 v19, v13;
	v15 =	vmul.f32 v14, v15  }
0xdc: {  	v13 =	vunpack.i.u.bf16.f32 v12;
	v12 =	vunpack.i.u.bf16.f32 v23;
	v14 =	vunpack.i.l.bf16.f32 v23;
	v19 =	vld.idx.msk [tilespmem:v17+s22+$0x0], $0xffff  }
0xdd: {  	v17 =	vimm.f32 $0.0e+00;
	v13 =	vmul.f32 v25, v13;
	v8 =	vmul.f32 v8, v12  }
0xde: {  	s5 =	simm.s32 $0x4;
	v12 =	vimm.f32 $0.0e+00;
	v23 =	vunpack.i.u.bf16.f32 v22;
	v25 =	vunpack.i.l.bf16.f32 v20  }
.LBB2_7:
0xdf: {  	s6 =	sadd.s32 $0x1, s5  }
0xe0: {  	s7 =	sadd.s32 $0x2, s5;
	v22 =	vunpack.i.l.bf16.f32 v22;
	v28 =	vunpack.i.u.bf16.f32 v21;
	v24 =	vmul.f32 v24, v27;
	s8 =	smov.u32 s5;
	s4 =	sadd.s32 $0x4, s5  }
0xe1: {  	p1 =	slt.u32 s5, $0x7C;
	v30 =	vunpack.i.l.bf16.f32 v19;
	v27 =	vadd.s32 s6, v0;
	v29 =	vadd.s32 s7, v0  }
0xe2: {  	v20 =	vunpack.i.u.bf16.f32 v20;
	v27 =	vand.u32 $0x7F, v27;
	v29 =	vand.u32 $0x7F, v29  }
0xe3: {  	v32 =	vunpack.i.u.bf16.f32 v26;
	v26 =	vunpack.i.l.bf16.f32 v26;
	v31 =	vor.u32 v2, v27  }
0xe4: {  	v20 =	vmul.f32 v20, v28;
	v33 =	vor.u32 v1, v29;
	v29 =	vor.u32 v2, v29  }
0xe5: {  	v21 =	vunpack.i.l.bf16.f32 v21;
	v28 =	vadd.s32 s8, v0;
	v22 =	vmul.f32 v30, v22  }
0xe6: {  	v28 =	vand.u32 $0x7F, v28;
	v27 =	vor.u32 v1, v27;
	v7 =	vadd.f32 v20, v7  }
0xe7: {  	s5 =	sadd.s32 $0x3, s8;
	v30 =	vor.u32 v1, v28;
	v28 =	vor.u32 v2, v28;
	v20 =	vmul.f32 v25, v21  }
0xe8: {  	v19 =	vunpack.i.u.bf16.f32 v19;
	v25 =	vadd.s32 s5, v0;
	v7 =	vadd.f32 v10, v7;
	v21 =	vld.idx.msk [tilespmem:v31+s20+$0x0], $0xffff  }
0xe9: {  	v5 =	vunpack.i.l.bf16.f32 v5;
	v19 =	vmul.f32 v19, v23;
	v10 =	vand.u32 $0x7F, v25;
	v34 =	vld.idx.msk [tilespmem:v33+s20+$0x0], $0xffff  }
0xea: {  	v17 =	vadd.f32 v22, v17;
	v12 =	vadd.f32 v20, v12;
	v25 =	vor.u32 v2, v10;
	v23 =	vld.idx.msk [tilespmem:v29+s22+$0x0], $0xffff  }
0xeb: {  	v16 =	vadd.f32 v19, v16;
	v19 =	vmul.f32 v26, v5;
	v10 =	vor.u32 v1, v10;
	v20 =	vld.idx.msk [tilespmem:v29+s20+$0x0], $0xffff  }
0xec: {  	v3 =	vunpack.i.l.bf16.f32 v3;
	v5 =	vadd.f32 v6, v12;
	v6 =	vadd.f32 v11, v7;
	v22 =	vld.idx.msk [tilespmem:v31+s22+$0x0], $0xffff  }
0xed: {  	v9 =	vadd.f32 v9, v16;
	v7 =	vadd.f32 v15, v17;
	v15 =	vmul.f32 v32, v18;
	v11 =	vld.idx.msk [tilespmem:v33+s22+$0x0], $0xffff  }
0xee: {  	v4 =	vadd.f32 v4, v5;
	v26 =	vunpack.i.u.bf16.f32 v21;
	v21 =	vunpack.i.l.bf16.f32 v21;
	v18 =	vld.idx.msk [tilespmem:v27+s22+$0x0], $0xffff  }
0xef: {  	v9 =	vadd.f32 v13, v9;
	v13 =	vmul.f32 v3, v14;
	v16 =	vadd.f32 v24, v7;
	v27 =	vld.idx.msk [tilespmem:v27+s20+$0x0], $0xffff  }
0xf0: {  	v7 =	vadd.f32 v15, v6;
	v12 =	vadd.f32 v19, v4;
	v5 =	vld.idx.msk [tilespmem:v25+s20+$0x0], $0xffff  }
0xf1: {  	v17 =	vadd.f32 v13, v16;
	v16 =	vadd.f32 v8, v9;
	v14 =	vunpack.i.u.bf16.f32 v20;
	v3 =	vld.idx.msk [tilespmem:v10+s22+$0x0], $0xffff  }
0xf2: {  	v8 =	vunpack.i.l.bf16.f32 v20;
	v4 =	vunpack.i.u.bf16.f32 v22;
	v6 =	vunpack.i.l.bf16.f32 v22;
	v29 =	vld.idx.msk [tilespmem:v10+s20+$0x0], $0xffff  }
0xf3: {  	v6 =	vmul.f32 v6, v21;
	v10 =	vmul.f32 v4, v26;
	v4 =	vunpack.i.l.bf16.f32 v23;
	v22 =	vld.idx.msk [tilespmem:v30+s20+$0x0], $0xffff  }
0xf4: {  	v9 =	vunpack.i.u.bf16.f32 v18;
	v13 =	vunpack.i.l.bf16.f32 v18;
	v4 =	vmul.f32 v4, v8;
	v20 =	vld.idx.msk [tilespmem:v28+s22+$0x0], $0xffff  }
0xf5: {  	v24 =	vunpack.i.l.bf16.f32 v11;
	v18 =	vunpack.i.u.bf16.f32 v11;
	v8 =	vunpack.i.u.bf16.f32 v27;
	v21 =	vld.idx.msk [tilespmem:v28+s20+$0x0], $0xffff  }
.Ltmp2:
0xf6: {  	v11 =	vunpack.i.l.bf16.f32 v27;
	v9 =	vmul.f32 v9, v8;
	v8 =	vunpack.i.u.bf16.f32 v23;
	v19 =	vld.idx.msk [tilespmem:v30+s22+$0x0], $0xffff;
	(pc) =	sbr.rel @p1 .LBB2_7-.Ltmp2, $4  }
0xf7: {  	v15 =	vmul.f32 v13, v11;
	v11 =	vmul.f32 v8, v14;
	v8 =	vunpack.i.u.bf16.f32 v3  }
0xf8: {  	v27 =	vunpack.i.l.bf16.f32 v34;
	v13 =	vunpack.i.u.bf16.f32 v34;
	v23 =	vunpack.i.u.bf16.f32 v29;
	v26 =	vld.idx.msk [tilespmem:v25+s22+$0x0], $0xffff  }
0xf9: {  	v13 =	vmul.f32 v18, v13;
	v14 =	vunpack.i.l.bf16.f32 v29;
	v8 =	vmul.f32 v8, v23  }
0xfa: {  	s5 =	smov.u32 s4;
	v18 =	vunpack.i.u.bf16.f32 v5;
	v23 =	vunpack.i.u.bf16.f32 v22;
	v25 =	vunpack.i.l.bf16.f32 v20  }
0xfb: {  	v22 =	vunpack.i.l.bf16.f32 v22;
	v28 =	vunpack.i.u.bf16.f32 v21;
	v20 =	vunpack.i.u.bf16.f32 v20  }
0xfc: {  	v29 =	vunpack.i.l.bf16.f32 v19;
	v19 =	vunpack.i.u.bf16.f32 v19;
	v20 =	vmul.f32 v20, v28  }
0xfd: {  	v21 =	vunpack.i.l.bf16.f32 v21;
	v22 =	vmul.f32 v29, v22;
	v19 =	vmul.f32 v19, v23  }
0xfe: {  	v5 =	vunpack.i.l.bf16.f32 v5;
	v7 =	vadd.f32 v20, v7;
	v20 =	vmul.f32 v25, v21  }
0xff: {  	v3 =	vunpack.i.l.bf16.f32 v3;
	v17 =	vadd.f32 v22, v17;
	v16 =	vadd.f32 v19, v16  }
0x100: {  	v23 =	vmul.f32 v24, v27;
	v7 =	vadd.f32 v10, v7;
	v10 =	vadd.f32 v20, v12  }
0x101: {  	v3 =	vmul.f32 v3, v14;
	v12 =	vadd.f32 v15, v17;
	v9 =	vadd.f32 v9, v16  }
0x102: {  	v21 =	vunpack.i.u.bf16.f32 v26;
	v19 =	vunpack.i.l.bf16.f32 v26;
	v6 =	vadd.f32 v6, v10  }
0x103: {  	v5 =	vmul.f32 v19, v5;
	v10 =	vadd.f32 v23, v12;
	v9 =	vadd.f32 v13, v9  }
0x104: {  	v7 =	vadd.f32 v11, v7;
	v11 =	vmul.f32 v21, v18;
	v4 =	vadd.f32 v4, v6  }
0x105: {  	v3 =	vadd.f32 v3, v10;
	v6 =	vadd.f32 v8, v9  }
0x106: {  	v4 =	vadd.f32 v5, v4;
	v5 =	vadd.f32 v11, v7  }
0x107: {  	v3 =	vadd.f32 v6, v3  }
0x108: {  	v4 =	vadd.f32 v5, v4  }
0x109: {  	[tilespmem:s12+$0x1E0C0] =	vst v3  }
0x10a: {  	s4 =	sadd.s32 @!p0 $0xC0, s12;
	s5 =	simm.s32 @!p0 $0x20;
	s6 =	simm.s32 @!p0 $0x1A080;
	[tilespmem:s12+$0x1E0D0] =	vst v4  }
0x10b: {  	[tilespmem:s6], [sflag:$0x5] =	stream.indirect.gather @!p0 [spmem:s2], $0x80, s4, s5, $0xb8;
	[tilespmem:$0x1F480] =	vst v63  }
0x10c: {  	s7 =	simm.s32 $0x2;
	s4 =	sadd.s32 @!p0 $0x14C0, s12;
	s6 =	simm.s32 @!p0 $0x1B080  }
0x10d: {  	v4 =	vadd.s32 s7, v0;
	[tilespmem:s6], [sflag:$0x6] =	stream.indirect.gather @!p0 [spmem:s2], $0x80, s4, s5, $0xb8;
	[tilespmem:$0x1F480] =	vst v63  }
0x10e: {  	v4 =	vand.u32 $0x7F, v4;
	_ =	swait.ge [sflag:s1], $0x1000  }
0x10f: {  	s8 =	simm.s32 $0x3;
	v6 =	vor.u32 v1, v4;
	[sflag:s1] =	ssyncset.done $0x0  }
0x110: {  	v7 =	vadd.s32 s8, v0;
	v4 =	vor.u32 v2, v4;
	s6 =	simm.s32 $0x1;
	[sflag:s1] =	ssyncadd.s32 $0xFFFFF000  }
0x111: {  	v7 =	vand.u32 $0x7F, v7;
	v3 =	vadd.s32 s6, v0;
	_ =	swait.ge [sflag:s0], $0x1000  }
0x112: {  	v10 =	vor.u32 v1, v7;
	v3 =	vand.u32 $0x7F, v3;
	[sflag:s0] =	ssyncset.done $0x0  }
0x113: {  	v5 =	vor.u32 v2, v3;
	[sflag:s0] =	ssyncadd.s32 $0xFFFFF000  }
0x114: {  	v12 =	vld.idx.msk [tilespmem:v6+s23+$0x0], $0xffff  }
0x115: {  	v11 =	vld.idx.msk [tilespmem:v4+s24+$0x0], $0xffff  }
0x116: {  	v16 =	vor.u32 v2, v7;
	v4 =	vld.idx.msk [tilespmem:v4+s23+$0x0], $0xffff  }
0x117: {  	v3 =	vor.u32 v1, v3;
	v23 =	vld.idx.msk [tilespmem:v10+s23+$0x0], $0xffff  }
0x118: {  	s12 =	simm.s32 $0x0;
	v8 =	vld.idx.msk [tilespmem:v5+s23+$0x0], $0xffff  }
0x119: {  	v9 =	vadd.s32 s12, v0;
	v13 =	vld.idx.msk [tilespmem:v5+s24+$0x0], $0xffff  }
0x11a: {  	v5 =	vand.u32 $0x7F, v9;
	v9 =	vld.idx.msk [tilespmem:v6+s24+$0x0], $0xffff  }
0x11b: {  	v26 =	vld.idx.msk [tilespmem:v16+s24+$0x0], $0xffff;
	v17 =	vor.u32 v1, v5  }
0x11c: {  	v7 =	vimm.f32 $0.0e+00;
	v14 =	vld.idx.msk [tilespmem:v3+s24+$0x0], $0xffff;
	v18 =	vor.u32 v2, v5  }
0x11d: {  	v5 =	vld.idx.msk [tilespmem:v16+s23+$0x0], $0xffff;
	v16 =	vimm.f32 $0.0e+00;
	v27 =	vunpack.i.l.bf16.f32 v12;
	v19 =	vunpack.i.u.bf16.f32 v8  }
0x11e: {  	v15 =	vld.idx.msk [tilespmem:v3+s23+$0x0], $0xffff;
	v6 =	vunpack.i.l.bf16.f32 v8;
	v8 =	vunpack.i.u.bf16.f32 v4;
	v20 =	vunpack.i.u.bf16.f32 v13  }
0x11f: {  	v3 =	vld.idx.msk [tilespmem:v10+s24+$0x0], $0xffff;
	v13 =	vunpack.i.l.bf16.f32 v13;
	v4 =	vunpack.i.l.bf16.f32 v4;
	v25 =	vunpack.i.u.bf16.f32 v9  }
0x120: {  	v24 =	vunpack.i.l.bf16.f32 v9;
	v6 =	vmul.f32 v13, v6;
	v10 =	vmul.f32 v20, v19;
	v22 =	vld.idx.msk [tilespmem:v17+s23+$0x0], $0xffff  }
0x121: {  	v13 =	vunpack.i.l.bf16.f32 v11;
	v19 =	vunpack.i.u.bf16.f32 v14;
	v14 =	vunpack.i.l.bf16.f32 v14;
	v20 =	vld.idx.msk [tilespmem:v18+s24+$0x0], $0xffff  }
0x122: {  	v11 =	vunpack.i.u.bf16.f32 v11;
	v21 =	vld.idx.msk [tilespmem:v18+s23+$0x0], $0xffff;
	v18 =	vunpack.i.u.bf16.f32 v5;
	v4 =	vmul.f32 v13, v4  }
0x123: {  	v13 =	vunpack.i.u.bf16.f32 v15;
	v15 =	vunpack.i.l.bf16.f32 v15;
	v11 =	vmul.f32 v11, v8  }
0x124: {  	v8 =	vunpack.i.u.bf16.f32 v3;
	v9 =	vmul.f32 v19, v13;
	v15 =	vmul.f32 v14, v15  }
0x125: {  	v13 =	vunpack.i.u.bf16.f32 v12;
	v12 =	vunpack.i.u.bf16.f32 v23;
	v14 =	vunpack.i.l.bf16.f32 v23;
	v19 =	vld.idx.msk [tilespmem:v17+s24+$0x0], $0xffff  }
0x126: {  	v17 =	vimm.f32 $0.0e+00;
	v13 =	vmul.f32 v25, v13;
	v8 =	vmul.f32 v8, v12  }
0x127: {  	s5 =	simm.s32 $0x4;
	v12 =	vimm.f32 $0.0e+00;
	v23 =	vunpack.i.u.bf16.f32 v22;
	v25 =	vunpack.i.l.bf16.f32 v20  }
.LBB2_9:
0x128: {  	s6 =	sadd.s32 $0x1, s5  }
0x129: {  	s7 =	sadd.s32 $0x2, s5;
	v22 =	vunpack.i.l.bf16.f32 v22;
	v28 =	vunpack.i.u.bf16.f32 v21;
	v24 =	vmul.f32 v24, v27;
	s8 =	smov.u32 s5;
	s4 =	sadd.s32 $0x4, s5  }
0x12a: {  	p0 =	slt.u32 s5, $0x7C;
	v30 =	vunpack.i.l.bf16.f32 v19;
	v27 =	vadd.s32 s6, v0;
	v29 =	vadd.s32 s7, v0  }
0x12b: {  	v20 =	vunpack.i.u.bf16.f32 v20;
	v27 =	vand.u32 $0x7F, v27;
	v29 =	vand.u32 $0x7F, v29  }
0x12c: {  	v32 =	vunpack.i.u.bf16.f32 v26;
	v26 =	vunpack.i.l.bf16.f32 v26;
	v31 =	vor.u32 v2, v27  }
0x12d: {  	v20 =	vmul.f32 v20, v28;
	v33 =	vor.u32 v1, v29;
	v29 =	vor.u32 v2, v29  }
0x12e: {  	v21 =	vunpack.i.l.bf16.f32 v21;
	v28 =	vadd.s32 s8, v0;
	v22 =	vmul.f32 v30, v22  }
0x12f: {  	v28 =	vand.u32 $0x7F, v28;
	v27 =	vor.u32 v1, v27;
	v7 =	vadd.f32 v20, v7  }
0x130: {  	s5 =	sadd.s32 $0x3, s8;
	v30 =	vor.u32 v1, v28;
	v28 =	vor.u32 v2, v28;
	v20 =	vmul.f32 v25, v21  }
0x131: {  	v19 =	vunpack.i.u.bf16.f32 v19;
	v25 =	vadd.s32 s5, v0;
	v7 =	vadd.f32 v10, v7;
	v21 =	vld.idx.msk [tilespmem:v31+s23+$0x0], $0xffff  }
0x132: {  	v5 =	vunpack.i.l.bf16.f32 v5;
	v19 =	vmul.f32 v19, v23;
	v10 =	vand.u32 $0x7F, v25;
	v34 =	vld.idx.msk [tilespmem:v33+s23+$0x0], $0xffff  }
0x133: {  	v17 =	vadd.f32 v22, v17;
	v12 =	vadd.f32 v20, v12;
	v25 =	vor.u32 v2, v10;
	v23 =	vld.idx.msk [tilespmem:v29+s24+$0x0], $0xffff  }
0x134: {  	v16 =	vadd.f32 v19, v16;
	v19 =	vmul.f32 v26, v5;
	v10 =	vor.u32 v1, v10;
	v20 =	vld.idx.msk [tilespmem:v29+s23+$0x0], $0xffff  }
0x135: {  	v3 =	vunpack.i.l.bf16.f32 v3;
	v5 =	vadd.f32 v6, v12;
	v6 =	vadd.f32 v11, v7;
	v22 =	vld.idx.msk [tilespmem:v31+s24+$0x0], $0xffff  }
0x136: {  	v9 =	vadd.f32 v9, v16;
	v7 =	vadd.f32 v15, v17;
	v15 =	vmul.f32 v32, v18;
	v11 =	vld.idx.msk [tilespmem:v33+s24+$0x0], $0xffff  }
0x137: {  	v4 =	vadd.f32 v4, v5;
	v26 =	vunpack.i.u.bf16.f32 v21;
	v21 =	vunpack.i.l.bf16.f32 v21;
	v18 =	vld.idx.msk [tilespmem:v27+s24+$0x0], $0xffff  }
0x138: {  	v9 =	vadd.f32 v13, v9;
	v13 =	vmul.f32 v3, v14;
	v16 =	vadd.f32 v24, v7;
	v27 =	vld.idx.msk [tilespmem:v27+s23+$0x0], $0xffff  }
0x139: {  	v7 =	vadd.f32 v15, v6;
	v12 =	vadd.f32 v19, v4;
	v5 =	vld.idx.msk [tilespmem:v25+s23+$0x0], $0xffff  }
0x13a: {  	v17 =	vadd.f32 v13, v16;
	v16 =	vadd.f32 v8, v9;
	v14 =	vunpack.i.u.bf16.f32 v20;
	v3 =	vld.idx.msk [tilespmem:v10+s24+$0x0], $0xffff  }
0x13b: {  	v8 =	vunpack.i.l.bf16.f32 v20;
	v4 =	vunpack.i.u.bf16.f32 v22;
	v6 =	vunpack.i.l.bf16.f32 v22;
	v29 =	vld.idx.msk [tilespmem:v10+s23+$0x0], $0xffff  }
0x13c: {  	v6 =	vmul.f32 v6, v21;
	v10 =	vmul.f32 v4, v26;
	v4 =	vunpack.i.l.bf16.f32 v23;
	v22 =	vld.idx.msk [tilespmem:v30+s23+$0x0], $0xffff  }
0x13d: {  	v9 =	vunpack.i.u.bf16.f32 v18;
	v13 =	vunpack.i.l.bf16.f32 v18;
	v4 =	vmul.f32 v4, v8;
	v20 =	vld.idx.msk [tilespmem:v28+s24+$0x0], $0xffff  }
0x13e: {  	v24 =	vunpack.i.l.bf16.f32 v11;
	v18 =	vunpack.i.u.bf16.f32 v11;
	v8 =	vunpack.i.u.bf16.f32 v27;
	v21 =	vld.idx.msk [tilespmem:v28+s23+$0x0], $0xffff  }
.Ltmp3:
0x13f: {  	v11 =	vunpack.i.l.bf16.f32 v27;
	v9 =	vmul.f32 v9, v8;
	v8 =	vunpack.i.u.bf16.f32 v23;
	v19 =	vld.idx.msk [tilespmem:v30+s24+$0x0], $0xffff;
	(pc) =	sbr.rel @p0 .LBB2_9-.Ltmp3, $4  }
0x140: {  	v15 =	vmul.f32 v13, v11;
	v11 =	vmul.f32 v8, v14;
	v8 =	vunpack.i.u.bf16.f32 v3  }
0x141: {  	v27 =	vunpack.i.l.bf16.f32 v34;
	v13 =	vunpack.i.u.bf16.f32 v34;
	v23 =	vunpack.i.u.bf16.f32 v29;
	v26 =	vld.idx.msk [tilespmem:v25+s24+$0x0], $0xffff  }
0x142: {  	v13 =	vmul.f32 v18, v13;
	v14 =	vunpack.i.l.bf16.f32 v29;
	v8 =	vmul.f32 v8, v23  }
0x143: {  	s5 =	smov.u32 s4;
	v18 =	vunpack.i.u.bf16.f32 v5;
	v23 =	vunpack.i.u.bf16.f32 v22;
	v25 =	vunpack.i.l.bf16.f32 v20  }
0x144: {  	v22 =	vunpack.i.l.bf16.f32 v22;
	v28 =	vunpack.i.u.bf16.f32 v21;
	v20 =	vunpack.i.u.bf16.f32 v20  }
0x145: {  	v29 =	vunpack.i.l.bf16.f32 v19;
	v52 =	vunpack.i.u.bf16.f32 v19;
	v54 =	vmul.f32 v24, v27  }
0x146: {  	v53 =	vunpack.i.l.bf16.f32 v21;
	v22 =	vmul.f32 v29, v22;
	v19 =	vmul.f32 v52, v23  }
0x147: {  	v5 =	vunpack.i.l.bf16.f32 v5;
	v20 =	vmul.f32 v20, v28;
	v55 =	vmul.f32 v25, v53  }
0x148: {  	v3 =	vunpack.i.l.bf16.f32 v3;
	v17 =	vadd.f32 v22, v17;
	v16 =	vadd.f32 v19, v16  }
0x149: {  	v3 =	vmul.f32 v3, v14;
	v7 =	vadd.f32 v20, v7;
	v58 =	vadd.f32 v55, v12  }
0x14a: {  	v56 =	vunpack.i.u.bf16.f32 v26;
	v59 =	vadd.f32 v15, v17;
	v9 =	vadd.f32 v9, v16  }
0x14b: {  	v57 =	vunpack.i.l.bf16.f32 v26;
	v7 =	vadd.f32 v10, v7;
	v6 =	vadd.f32 v6, v58  }
0x14c: {  	v5 =	vmul.f32 v57, v5;
	v60 =	vadd.f32 v54, v59;
	v9 =	vadd.f32 v13, v9  }
0x14d: {  	s21 =	sadd.s32 $0x1, s21;
	v61 =	vmul.f32 v56, v18;
	v7 =	vadd.f32 v11, v7;
	v4 =	vadd.f32 v4, v6  }
0x14e: {  	p0 =	sne.s32 s21, $0x28;
	v3 =	vadd.f32 v3, v60;
	v62 =	vadd.f32 v8, v9  }
.Ltmp4:
0x14f: {  	v4 =	vadd.f32 v5, v4;
	v63 =	vadd.f32 v61, v7;
	(pc) =	sbr.rel @p0 .LBB2_2-.Ltmp4, $4  }
0x150: {  	v3 =	vadd.f32 v62, v3  }
0x151: {  	v4 =	vadd.f32 v63, v4  }
0x152: {  	[tilespmem:s17+$0x1E080] =	vst v3  }
0x153: {  	[tilespmem:s17+$0x1E090] =	vst v4  }
0x154: {  	s19 =	sadd.s32 $0x1, s19  }
0x155: {  	p0 =	sne.s32 s19, s9  }
.Ltmp5:
0x156: {  	s4 =	rddreg [dreg:$0x7];
	s5 =	simm.s32 $0x1E080;
	(pc) =	sbr.rel @p0 .LBB2_1-.Ltmp5, $4  }
0x157: {  	[hbm4b:s4+s3] =	stream.linear.scatter [tilespmem:s5], [sflag:$0x9], $0x1400, $0x38;
	[tilespmem:$0x1F480] =	vst v63  }
0x158: {  	_ =	swait.ge [sflag:s11], $0x1400  }
0x159: {  	[sflag:s11] =	ssyncset.done $0x0  }
0x15a: {  	[sflag:s11] =	ssyncadd.s32 $0xFFFFEC00  }
0x15b: {  	_ =	sfence.sel $0x180000  }
0x15c: {  	[bflag:$0x0] =	sbarrier.arrive $0xFFFF  }
0x15d: {  	_ =	strace $0x90000047  }
0x15e: {  	s0 =	stileid.u32;
	[bflag:$0x2] =	sbarrier.arrive $0xFFFF  }
0x15f: {  	p0 =	sne.s32 s0, $0x0;
	s0 =	rddreg [dreg:$0x2]  }
0x160: {  	s0 =	sadd.s32 @!p0 $0x100000, s0  }
0x161: {  	[sflag:s0] =	ssyncadd.tile.s32 @!p0 $0x1;
	_ =	shalt  }
.Lfunc_end2:
_tile_overlayer_lowered:
.L_overlay_start_2:
0x162: {  	(tag) =	ssettag $0x2  }
0x163: {  	s0 =	rddreg [dreg:$0x0];
	s2 =	stileid.u32  }
0x164: {  	s1 =	rddreg [dreg:$0x1];
	p0 =	sne.s32 s2, $0x0  }
0x165: {  	s3 =	rddreg [dreg:$0x2];
	[bflag:$0x3] =	sbarrier.arrive $0xFFFF;
	s2 =	simm.s32 @!p0 $0x1C09  }
0x166: {  	[timem:s3], [sflag:s2] =	dma.local @!p0 [hbm:s0], s1  }
0x167: {  	s0 =	simm.s32 @!p0 $0x9  }
0x168: {  	_ =	swait.ge @!p0 [sflag:s0], s1  }
0x169: {  	s1 =	ssub.s32 @!p0 $0x0, s1;
	[sflag:s0] =	ssyncset.done @!p0 $0x0  }
0x16a: {  	[sflag:s0] =	ssyncadd.s32 @!p0 s1  }
0x16b: {  	[bflag:$0x3] =	sbarrier.arrive $0xFFFF  }
0x16c: {  	_ =	shalt  }

</sc_bundles>
